<compile_context>
chip_gen: v7x
topology: tpu7x:2x2x1
jax: 0.10.2.dev20260603
libtpu: 0.0.44.dev20260713+nightly
codegen_flags: <defaults>
</compile_context>

<pallas_src>
import functools

import jax
import jax.numpy as jnp
from jax import lax
from jax.experimental import pallas as pl
from jax.experimental.pallas import tpu as pltpu
from jax.experimental.pallas import tpu_sc as plsc

N = 10000
E = 320000
D = 128

NC = 2
NS = 16
NW = NC * NS
N_PAD = 10240
EP = E // NW
CHUNK = 128
FULL_CHUNKS = EP // CHUNK
CPT = 80
E_PAD = NW * CPT * CHUNK
N_ACC = 10112
ACC_PER_TILE = N_ACC // NS

_MESH = plsc.VectorSubcoreMesh(core_axis_name="c", subcore_axis_name="s")


@functools.partial(
    pl.kernel,
    out_type=jax.ShapeDtypeStruct((NC, 80, 128), jnp.float32),
    mesh=_MESH,
    scratch_types=[
        pltpu.VMEM((EP,), jnp.int32),
        pltpu.VMEM((80, 128), jnp.float32),
        pltpu.VMEM((80,), jnp.int32),
        pltpu.VMEM_SHARED((80, 128), jnp.float32),
    ],
    compiler_params=pltpu.CompilerParams(needs_layout_passes=False),
)
def _deg_kernel(dst_hbm, zeros_hbm, out_hbm, idx_buf, deg_loc,
                row_idx, deg_shared):
    cid = lax.axis_index("c")
    sid = lax.axis_index("s")
    wid = sid * NC + cid

    @pl.when(sid == 0)
    def _():
        pltpu.sync_copy(zeros_hbm, deg_shared)

    pltpu.sync_copy(zeros_hbm, deg_loc)

    iota = lax.iota(jnp.int32, 16)
    for k in range(5):
        row_idx[pl.ds(k * 16, 16)] = iota + (k * 16)

    plsc.subcore_barrier()

    ones = jnp.ones((16,), jnp.float32)
    base = pl.multiple_of(wid * EP, 8)
    pltpu.sync_copy(dst_hbm.at[pl.ds(base, EP)], idx_buf)

    def body(k, _):
        for j in range(5):
            idx16 = idx_buf[pl.ds((k * 5 + j) * 16, 16)]
            row = jnp.right_shift(idx16, 7)
            col = jnp.bitwise_and(idx16, 127)
            plsc.addupdate_scatter(deg_loc, [row, col], ones)
        return 0

    lax.fori_loop(0, EP // 80, body, 0)

    pltpu.sync_copy(deg_loc, deg_shared.at[row_idx], add=True)
    plsc.subcore_barrier()

    @pl.when(sid == 0)
    def _():
        pltpu.sync_copy(deg_shared, out_hbm.at[cid])


def _mm_body(x_ref, w_ref, deg_ref, z_ref, norm_ref):
    deg = deg_ref[0] + deg_ref[1]
    norm = lax.rsqrt(jnp.maximum(deg, 1.0))
    norm_ref[...] = norm
    y = lax.dot_general(x_ref[...], w_ref[...],
                        (((1,), (1,)), ((), ())),
                        preferred_element_type=jnp.float32)
    z_ref[...] = y * norm[:N]


_mm_kernel = pl.pallas_call(
    _mm_body,
    out_shape=(
        jax.ShapeDtypeStruct((N, D), jnp.float32),
        jax.ShapeDtypeStruct((N_PAD, 1), jnp.float32),
    ),
)


@functools.partial(
    pl.kernel,
    out_type=jax.ShapeDtypeStruct((NC, N_ACC, 128), jnp.float32),
    mesh=_MESH,
    scratch_types=[
        pltpu.VMEM((CPT, CHUNK), jnp.int32),
        pltpu.VMEM((CHUNK,), jnp.int32),
        pltpu.VMEM((CHUNK,), jnp.int32),
        pltpu.VMEM((CHUNK, 128), jnp.float32),
        pltpu.VMEM((CHUNK, 128), jnp.float32),
        pltpu.VMEM_SHARED((N_ACC, 128), jnp.float32),
        pltpu.SemaphoreType.DMA,
        pltpu.SemaphoreType.DMA,
        pltpu.SemaphoreType.DMA,
        pltpu.SemaphoreType.DMA,
    ],
)
def _agg_kernel(z_hbm, src_hbm, dst_hbm, zeros_hbm, out_hbm,
                src_loc, dst_a, dst_b, rows_a, rows_b, acc,
                sem_a, sem_b, semi_a, semi_b):
    cid = lax.axis_index("c")
    sid = lax.axis_index("s")
    wid = sid * NC + cid

    pltpu.sync_copy(zeros_hbm, acc.at[pl.ds(sid * ACC_PER_TILE, ACC_PER_TILE)])
    pltpu.sync_copy(src_hbm.at[wid], src_loc)
    plsc.subcore_barrier()

    def start(k, dbuf, rbuf, semi, sem):
        kk = jnp.minimum(k, CPT - 1)
        off = pl.multiple_of((wid * CPT + kk) * CHUNK, 8)
        pltpu.async_copy(dst_hbm.at[pl.ds(off, CHUNK)], dbuf, semi)
        pltpu.async_copy(z_hbm.at[src_loc.at[kk]], rbuf, sem)

    def wait_rows(rbuf, sem):
        pltpu.make_async_copy(z_hbm.at[pl.ds(0, CHUNK)], rbuf, sem).wait()

    def wait_idx(dbuf, semi):
        pltpu.make_async_copy(dst_hbm.at[pl.ds(0, CHUNK)], dbuf, semi).wait()

    start(0, dst_a, rows_a, semi_a, sem_a)
    start(1, dst_b, rows_b, semi_b, sem_b)

    def body(p, _):
        wait_rows(rows_a, sem_a)
        wait_idx(dst_a, semi_a)
        pltpu.sync_copy(rows_a, acc.at[dst_a], add=True)
        start(2 * p + 2, dst_a, rows_a, semi_a, sem_a)
        wait_rows(rows_b, sem_b)
        wait_idx(dst_b, semi_b)
        pltpu.sync_copy(rows_b, acc.at[dst_b], add=True)
        start(2 * p + 3, dst_b, rows_b, semi_b, sem_b)
        return 0

    lax.fori_loop(0, CPT // 2, body, 0)
    wait_rows(rows_a, sem_a)
    wait_rows(rows_b, sem_b)
    wait_idx(dst_a, semi_a)
    wait_idx(dst_b, semi_b)

    plsc.subcore_barrier()
    pltpu.sync_copy(acc.at[pl.ds(sid * ACC_PER_TILE, ACC_PER_TILE)],
                    out_hbm.at[cid, pl.ds(sid * ACC_PER_TILE, ACC_PER_TILE)])


def _fin_body(p_ref, norm_ref, h_ref):
    u = p_ref[0, :N, :] + p_ref[1, :N, :]
    h_ref[...] = u * norm_ref[:N]


_fin_kernel = pl.pallas_call(
    _fin_body,
    out_shape=jax.ShapeDtypeStruct((N, D), jnp.float32),
)


def kernel(x, edge_index, W):
    src = edge_index[0]
    dst = edge_index[1]
    zeros_deg = jnp.zeros((80, 128), jnp.float32)

    pad = E_PAD - E
    pad_iota = jnp.arange(pad, dtype=jnp.int32)
    src3 = jnp.concatenate([src, pad_iota % N]).reshape(NW, CPT, CHUNK)
    dst_flat = jnp.concatenate([dst, N + (pad_iota % (N_ACC - N))])
    zeros_acc = jnp.zeros((ACC_PER_TILE, 128), jnp.float32)

    deg_rows = _deg_kernel(dst, zeros_deg)
    deg_col = deg_rows.reshape(NC, N_PAD, 1)
    z, norm_col = _mm_kernel(x, W, deg_col)
    parts = _agg_kernel(z, src3, dst_flat, zeros_acc)
    return _fin_kernel(parts, norm_col)

# --- scband reference (transcript-rebuilt; emitter-appended) ---
"""Pipeline reference for scband-gcnlayer-1305670058274 (READ-ONLY COPY).

The authoritative reference and input builder live on the scoring server;
editing this copy changes nothing except your own understanding.
"""

import jax, jax.numpy as jnp
import numpy as np

N_NODES = 10000
N_EDGES = 320000
D_IN = 128
D_OUT = 128


def setup_inputs(seed: int = 0) -> dict:
    key = jax.random.key(seed)
    k1, k2, k3 = jax.random.split(key, 3)
    x = jax.random.normal(k1, (N_NODES, D_IN), dtype=jnp.float32)
    edge_index = jax.random.randint(k2, (2, N_EDGES), 0, N_NODES, dtype=jnp.int32)
    # xavier_normal_ on nn.Linear weight [out_dim, in_dim], gain=1 (activation=None)
    std = float(np.sqrt(2.0 / (D_IN + D_OUT)))
    W = jax.random.normal(k3, (D_OUT, D_IN), dtype=jnp.float32) * std
    return {"x": x, "edge_index": edge_index, "W": W}


def reference(x, edge_index, W):
    # GCNLayer.forward with graph_norm=True, bias=False, activation=None,
    # no batch/pair norm, no residual, dropout/dropedge/cutgraph = 0 (eval mode).
    src = edge_index[0]
    dst = edge_index[1]
    e = src.shape[0]
    # in-degree norm: D^{-1/2} with clamp(min=1)
    deg = jax.ops.segment_sum(jnp.ones((e,), dtype=x.dtype), dst, num_segments=N_NODES)
    norm = jnp.power(jnp.clip(deg, 1.0, None), -0.5)
    # pre-normalize features
    feat = x * norm[:, None]
    # message passing: m = u_mul_e(h, w=1); reduce: sum over incoming edges
    msgs = jnp.take(feat, src, axis=0)
    h = jax.ops.segment_sum(msgs, dst, num_segments=N_NODES)
    # NodeApplyModule: linear (no bias)
    h = h @ W.T
    # post-normalize
    h = h * norm[:, None]
    return h

if __name__ == "__main__":
    import jax
    _d = setup_inputs()
    print(jax.jit(kernel)(*tuple(_d.values())))

</pallas_src>

<mosaic_0001>
#map = affine_map<(d0, d1) -> (0, 0)>
#map1 = affine_map<(d0, d1) -> (0, 0, 0)>
#map2 = affine_map<(d0, d1) -> (0)>
module attributes {stable_mosaic.version = 14 : i64} {
  func.func @_agg_kernel(%arg0: i32, %arg1: i32, %arg2: memref<10000x128xf32, #tpu.memory_space<hbm>>, %arg3: memref<32x80x128xi32, #tpu.memory_space<hbm>>, %arg4: memref<327680xi32, #tpu.memory_space<hbm>>, %arg5: memref<632x128xf32, #tpu.memory_space<hbm>>, %arg6: memref<2x10112x128xf32, #tpu.memory_space<hbm>>, %arg7: memref<80x128xi32, #tpu.memory_space<vmem>>, %arg8: memref<128xi32, #tpu.memory_space<vmem>>, %arg9: memref<128xi32, #tpu.memory_space<vmem>>, %arg10: memref<128x128xf32, #tpu.memory_space<vmem>>, %arg11: memref<128x128xf32, #tpu.memory_space<vmem>>, %arg12: memref<10112x128xf32, #tpu.memory_space<vmem_shared>>, %arg13: memref<!tpu.dma_semaphore, #tpu.memory_space<semaphore_mem>>, %arg14: memref<!tpu.dma_semaphore, #tpu.memory_space<semaphore_mem>>, %arg15: memref<!tpu.dma_semaphore, #tpu.memory_space<semaphore_mem>>, %arg16: memref<!tpu.dma_semaphore, #tpu.memory_space<semaphore_mem>>) attributes {dimension_semantics = [#tpu.dimension_semantics<core_parallel>, #tpu.dimension_semantics<subcore_parallel>], iteration_bounds = array<i64: 2, 16>, scalar_prefetch = 0 : i64, scratch_operands = 10 : i64, tpu.core_type = #tpu.core_type<sc_vector_subcore>, window_params = [{transform_indices = #map}, {transform_indices = #map1}, {transform_indices = #map2}, {transform_indices = #map}, {transform_indices = #map1}]} {
    %mul3A = arith.constant 2 : i32
    %mul3A_0 = arith.muli %arg1, %mul3A : i32
    %add3A = arith.addi %mul3A_0, %arg0 : i32
    %mul3A_1 = arith.constant 632 : i32
    %mul3A_2 = arith.muli %arg1, %mul3A_1 : i32
    "tpu.region"() ({
      %run_scoped3A = tpu.sem_alloc : memref<!tpu.dma_semaphore, #tpu.memory_space<semaphore_mem>>
      %dma_start3A_64 = arith.constant 0 : i32
      %dma_start3A_65 = tpu.memref_slice %arg12[%mul3A_2, %dma_start3A_64] : memref<10112x128xf32, #tpu.memory_space<vmem_shared>> -> memref<632x128xf32, #tpu.memory_space<vmem_shared>>
      tpu.enqueue_dma source(%arg5 : memref<632x128xf32, #tpu.memory_space<hbm>>) target(%dma_start3A_65 : memref<632x128xf32, #tpu.memory_space<vmem_shared>>) target_semaphore(%run_scoped3A : memref<!tpu.dma_semaphore, #tpu.memory_space<semaphore_mem>>)
      %dma_wait3A_66 = arith.constant 0 : i32
      %dma_wait3A_67 = tpu.memref_slice %arg12[%mul3A_2, %dma_wait3A_66] : memref<10112x128xf32, #tpu.memory_space<vmem_shared>> -> memref<632x128xf32, #tpu.memory_space<vmem_shared>>
      tpu.wait_dma2 semaphore(%run_scoped3A : memref<!tpu.dma_semaphore, #tpu.memory_space<semaphore_mem>>) src(%arg5 : memref<632x128xf32, #tpu.memory_space<hbm>>) dst(%dma_wait3A_67 : memref<632x128xf32, #tpu.memory_space<vmem_shared>>)
      tpu.yield
    }) : () -> ()
    "tpu.region"() ({
      %run_scoped3A = tpu.sem_alloc : memref<!tpu.dma_semaphore, #tpu.memory_space<semaphore_mem>>
      %dma_start3A_64 = arith.constant 0 : i32
      %dma_start3A_65 = arith.constant 0 : i32
      %dma_start3A_66 = tpu.memref_slice %arg3[%add3A, %dma_start3A_64, %dma_start3A_65] : memref<32x80x128xi32, #tpu.memory_space<hbm>> -> memref<1x80x128xi32, #tpu.memory_space<hbm>>
      %dma_start3A_67 = tpu.memref_squeeze %dma_start3A_66 : memref<1x80x128xi32, #tpu.memory_space<hbm>> -> memref<80x128xi32, #tpu.memory_space<hbm>>
      %dma_start3A_68 = arith.constant 0 : i32
      %dma_start3A_69 = arith.constant 0 : i32
      %dma_start3A_70 = tpu.memref_slice %arg3[%add3A, %dma_start3A_68, %dma_start3A_69] : memref<32x80x128xi32, #tpu.memory_space<hbm>> -> memref<1x80x128xi32, #tpu.memory_space<hbm>>
      %dma_start3A_71 = tpu.memref_squeeze %dma_start3A_70 : memref<1x80x128xi32, #tpu.memory_space<hbm>> -> memref<80x128xi32, #tpu.memory_space<hbm>>
      tpu.enqueue_dma source(%dma_start3A_71 : memref<80x128xi32, #tpu.memory_space<hbm>>) target(%arg7 : memref<80x128xi32, #tpu.memory_space<vmem>>) target_semaphore(%run_scoped3A : memref<!tpu.dma_semaphore, #tpu.memory_space<semaphore_mem>>)
      %dma_wait3A_72 = arith.constant 0 : i32
      %dma_wait3A_73 = arith.constant 0 : i32
      %dma_wait3A_74 = tpu.memref_slice %arg3[%add3A, %dma_wait3A_72, %dma_wait3A_73] : memref<32x80x128xi32, #tpu.memory_space<hbm>> -> memref<1x80x128xi32, #tpu.memory_space<hbm>>
      %dma_wait3A_75 = tpu.memref_squeeze %dma_wait3A_74 : memref<1x80x128xi32, #tpu.memory_space<hbm>> -> memref<80x128xi32, #tpu.memory_space<hbm>>
      %dma_wait3A_76 = arith.constant 0 : i32
      %dma_wait3A_77 = arith.constant 0 : i32
      %dma_wait3A_78 = tpu.memref_slice %arg3[%add3A, %dma_wait3A_76, %dma_wait3A_77] : memref<32x80x128xi32, #tpu.memory_space<hbm>> -> memref<1x80x128xi32, #tpu.memory_space<hbm>>
      %dma_wait3A_79 = tpu.memref_squeeze %dma_wait3A_78 : memref<1x80x128xi32, #tpu.memory_space<hbm>> -> memref<80x128xi32, #tpu.memory_space<hbm>>
      tpu.wait_dma2 semaphore(%run_scoped3A : memref<!tpu.dma_semaphore, #tpu.memory_space<semaphore_mem>>) src(%dma_wait3A_79 : memref<80x128xi32, #tpu.memory_space<hbm>>) dst(%arg7 : memref<80x128xi32, #tpu.memory_space<vmem>>)
      tpu.yield
    }) : () -> ()
    %barrier3A = arith.constant 0 : index
    tpu.barrier barrier_id(%barrier3A)
    %min3A = arith.constant 0 : i32
    %min3A_3 = arith.constant 79 : i32
    %min3A_4 = arith.minsi %min3A, %min3A_3 : i32
    %mul3A_5 = arith.constant 80 : i32
    %mul3A_6 = arith.muli %add3A, %mul3A_5 : i32
    %add3A_7 = arith.addi %mul3A_6, %min3A_4 : i32
    %mul3A_8 = arith.constant 128 : i32
    %mul3A_9 = arith.muli %add3A_7, %mul3A_8 : i32
    %multiple_of3A = tpu.assume_multiple %mul3A_9, 8 : i32
    %dma_start3A = tpu.memref_slice %arg4[%multiple_of3A] : memref<327680xi32, #tpu.memory_space<hbm>> -> memref<128xi32, #tpu.memory_space<hbm>>
    %dma_start3A_10 = tpu.memref_slice %arg4[%multiple_of3A] : memref<327680xi32, #tpu.memory_space<hbm>> -> memref<128xi32, #tpu.memory_space<hbm>>
    tpu.enqueue_dma source(%dma_start3A_10 : memref<128xi32, #tpu.memory_space<hbm>>) target(%arg8 : memref<128xi32, #tpu.memory_space<vmem>>) target_semaphore(%arg15 : memref<!tpu.dma_semaphore, #tpu.memory_space<semaphore_mem>>)
    %dma_start3A_11 = arith.constant 0 : i32
    %dma_start3A_12 = tpu.memref_slice %arg7[%min3A_4, %dma_start3A_11] : memref<80x128xi32, #tpu.memory_space<vmem>> -> memref<1x128xi32, #tpu.memory_space<vmem>>
    %dma_start3A_13 = tpu.memref_squeeze %dma_start3A_12 : memref<1x128xi32, #tpu.memory_space<vmem>> -> memref<128xi32, #tpu.memory_space<vmem>>
    %dma_start3A_14 = arith.constant 0 : i32
    %dma_start3A_15 = arith.constant 0 : i32
    %dma_start3A_16 = tpu.memref_slice %arg2[%dma_start3A_14, %dma_start3A_15] : memref<10000x128xf32, #tpu.memory_space<hbm>> -> memref<10000x128xf32, #tpu.memory_space<hbm>>
    tpu.enqueue_indirect_dma source(%dma_start3A_16 : memref<10000x128xf32, #tpu.memory_space<hbm>>) target(%arg10 : memref<128x128xf32, #tpu.memory_space<vmem>>) offsets(%dma_start3A_13 : memref<128xi32, #tpu.memory_space<vmem>>) semaphore(%arg13 : memref<!tpu.dma_semaphore, #tpu.memory_space<semaphore_mem>>)
    %min3A_17 = arith.constant 1 : i32
    %min3A_18 = arith.constant 79 : i32
    %min3A_19 = arith.minsi %min3A_17, %min3A_18 : i32
    %mul3A_20 = arith.constant 80 : i32
    %mul3A_21 = arith.muli %add3A, %mul3A_20 : i32
    %add3A_22 = arith.addi %mul3A_21, %min3A_19 : i32
    %mul3A_23 = arith.constant 128 : i32
    %mul3A_24 = arith.muli %add3A_22, %mul3A_23 : i32
    %multiple_of3A_25 = tpu.assume_multiple %mul3A_24, 8 : i32
    %dma_start3A_26 = tpu.memref_slice %arg4[%multiple_of3A_25] : memref<327680xi32, #tpu.memory_space<hbm>> -> memref<128xi32, #tpu.memory_space<hbm>>
    %dma_start3A_27 = tpu.memref_slice %arg4[%multiple_of3A_25] : memref<327680xi32, #tpu.memory_space<hbm>> -> memref<128xi32, #tpu.memory_space<hbm>>
    tpu.enqueue_dma source(%dma_start3A_27 : memref<128xi32, #tpu.memory_space<hbm>>) target(%arg9 : memref<128xi32, #tpu.memory_space<vmem>>) target_semaphore(%arg16 : memref<!tpu.dma_semaphore, #tpu.memory_space<semaphore_mem>>)
    %dma_start3A_28 = arith.constant 0 : i32
    %dma_start3A_29 = tpu.memref_slice %arg7[%min3A_19, %dma_start3A_28] : memref<80x128xi32, #tpu.memory_space<vmem>> -> memref<1x128xi32, #tpu.memory_space<vmem>>
    %dma_start3A_30 = tpu.memref_squeeze %dma_start3A_29 : memref<1x128xi32, #tpu.memory_space<vmem>> -> memref<128xi32, #tpu.memory_space<vmem>>
    %dma_start3A_31 = arith.constant 0 : i32
    %dma_start3A_32 = arith.constant 0 : i32
    %dma_start3A_33 = tpu.memref_slice %arg2[%dma_start3A_31, %dma_start3A_32] : memref<10000x128xf32, #tpu.memory_space<hbm>> -> memref<10000x128xf32, #tpu.memory_space<hbm>>
    tpu.enqueue_indirect_dma source(%dma_start3A_33 : memref<10000x128xf32, #tpu.memory_space<hbm>>) target(%arg11 : memref<128x128xf32, #tpu.memory_space<vmem>>) offsets(%dma_start3A_30 : memref<128xi32, #tpu.memory_space<vmem>>) semaphore(%arg14 : memref<!tpu.dma_semaphore, #tpu.memory_space<semaphore_mem>>)
    %scan3A = arith.constant 0 : i32
    %scan3A_34 = arith.constant 0 : i32
    %scan3A_35 = arith.constant 40 : i32
    %scan3A_36 = arith.addi %scan3A_34, %scan3A_35 : i32
    %scan3A_37 = arith.constant 1 : i32
    %scan3A_38 = scf.for %scan3A_64 = %scan3A_34 to %scan3A_36 step %scan3A_37 iter_args(%scan3A_65 = %scan3A) -> (i32)  : i32 {
      %dma_wait3A_66 = arith.constant 0 : i32
      %dma_wait3A_67 = arith.constant 0 : i32
      %dma_wait3A_68 = tpu.memref_slice %arg2[%dma_wait3A_66, %dma_wait3A_67] : memref<10000x128xf32, #tpu.memory_space<hbm>> -> memref<128x128xf32, #tpu.memory_space<hbm>>
      %dma_wait3A_69 = arith.constant 0 : i32
      %dma_wait3A_70 = arith.constant 0 : i32
      %dma_wait3A_71 = tpu.memref_slice %arg2[%dma_wait3A_69, %dma_wait3A_70] : memref<10000x128xf32, #tpu.memory_space<hbm>> -> memref<128x128xf32, #tpu.memory_space<hbm>>
      tpu.wait_dma2 semaphore(%arg13 : memref<!tpu.dma_semaphore, #tpu.memory_space<semaphore_mem>>) src(%dma_wait3A_71 : memref<128x128xf32, #tpu.memory_space<hbm>>) dst(%arg10 : memref<128x128xf32, #tpu.memory_space<vmem>>)
      %dma_wait3A_72 = arith.constant 0 : i32
      %dma_wait3A_73 = tpu.memref_slice %arg4[%dma_wait3A_72] : memref<327680xi32, #tpu.memory_space<hbm>> -> memref<128xi32, #tpu.memory_space<hbm>>
      %dma_wait3A_74 = arith.constant 0 : i32
      %dma_wait3A_75 = tpu.memref_slice %arg4[%dma_wait3A_74] : memref<327680xi32, #tpu.memory_space<hbm>> -> memref<128xi32, #tpu.memory_space<hbm>>
      tpu.wait_dma2 semaphore(%arg15 : memref<!tpu.dma_semaphore, #tpu.memory_space<semaphore_mem>>) src(%dma_wait3A_75 : memref<128xi32, #tpu.memory_space<hbm>>) dst(%arg8 : memref<128xi32, #tpu.memory_space<vmem>>)
      "tpu.region"() ({
        %run_scoped3A = tpu.sem_alloc : memref<!tpu.dma_semaphore, #tpu.memory_space<semaphore_mem>>
        %dma_start3A_127 = arith.constant 0 : i32
        %dma_start3A_128 = arith.constant 0 : i32
        %dma_start3A_129 = tpu.memref_slice %arg12[%dma_start3A_127, %dma_start3A_128] : memref<10112x128xf32, #tpu.memory_space<vmem_shared>> -> memref<10112x128xf32, #tpu.memory_space<vmem_shared>>
        tpu.enqueue_indirect_dma source(%arg10 : memref<128x128xf32, #tpu.memory_space<vmem>>) target(%dma_start3A_129 : memref<10112x128xf32, #tpu.memory_space<vmem_shared>>) offsets(%arg8 : memref<128xi32, #tpu.memory_space<vmem>>) semaphore(%run_scoped3A : memref<!tpu.dma_semaphore, #tpu.memory_space<semaphore_mem>>) {add = true}
        %dma_wait3A_130 = arith.constant 0 : i32
        %dma_wait3A_131 = arith.constant 0 : i32
        %dma_wait3A_132 = tpu.memref_slice %arg12[%dma_wait3A_130, %dma_wait3A_131] : memref<10112x128xf32, #tpu.memory_space<vmem_shared>> -> memref<10112x128xf32, #tpu.memory_space<vmem_shared>>
        tpu.wait_indirect_dma semaphore(%run_scoped3A : memref<!tpu.dma_semaphore, #tpu.memory_space<semaphore_mem>>) src(%arg10 : memref<128x128xf32, #tpu.memory_space<vmem>>) dst(%dma_wait3A_132 : memref<10112x128xf32, #tpu.memory_space<vmem_shared>>)
        tpu.yield
      }) : () -> ()
      %mul3A_76 = arith.constant 2 : i32
      %mul3A_77 = arith.muli %mul3A_76, %scan3A_64 : i32
      %add3A_78 = arith.constant 2 : i32
      %add3A_79 = arith.addi %mul3A_77, %add3A_78 : i32
      %min3A_80 = arith.constant 79 : i32
      %min3A_81 = arith.minsi %add3A_79, %min3A_80 : i32
      %mul3A_82 = arith.constant 80 : i32
      %mul3A_83 = arith.muli %add3A, %mul3A_82 : i32
      %add3A_84 = arith.addi %mul3A_83, %min3A_81 : i32
      %mul3A_85 = arith.constant 128 : i32
      %mul3A_86 = arith.muli %add3A_84, %mul3A_85 : i32
      %multiple_of3A_87 = tpu.assume_multiple %mul3A_86, 8 : i32
      %dma_start3A_88 = tpu.memref_slice %arg4[%multiple_of3A_87] : memref<327680xi32, #tpu.memory_space<hbm>> -> memref<128xi32, #tpu.memory_space<hbm>>
      %dma_start3A_89 = tpu.memref_slice %arg4[%multiple_of3A_87] : memref<327680xi32, #tpu.memory_space<hbm>> -> memref<128xi32, #tpu.memory_space<hbm>>
      tpu.enqueue_dma source(%dma_start3A_89 : memref<128xi32, #tpu.memory_space<hbm>>) target(%arg8 : memref<128xi32, #tpu.memory_space<vmem>>) target_semaphore(%arg15 : memref<!tpu.dma_semaphore, #tpu.memory_space<semaphore_mem>>)
      %dma_start3A_90 = arith.constant 0 : i32
      %dma_start3A_91 = tpu.memref_slice %arg7[%min3A_81, %dma_start3A_90] : memref<80x128xi32, #tpu.memory_space<vmem>> -> memref<1x128xi32, #tpu.memory_space<vmem>>
      %dma_start3A_92 = tpu.memref_squeeze %dma_start3A_91 : memref<1x128xi32, #tpu.memory_space<vmem>> -> memref<128xi32, #tpu.memory_space<vmem>>
      %dma_start3A_93 = arith.constant 0 : i32
      %dma_start3A_94 = arith.constant 0 : i32
      %dma_start3A_95 = tpu.memref_slice %arg2[%dma_start3A_93, %dma_start3A_94] : memref<10000x128xf32, #tpu.memory_space<hbm>> -> memref<10000x128xf32, #tpu.memory_space<hbm>>
      tpu.enqueue_indirect_dma source(%dma_start3A_95 : memref<10000x128xf32, #tpu.memory_space<hbm>>) target(%arg10 : memref<128x128xf32, #tpu.memory_space<vmem>>) offsets(%dma_start3A_92 : memref<128xi32, #tpu.memory_space<vmem>>) semaphore(%arg13 : memref<!tpu.dma_semaphore, #tpu.memory_space<semaphore_mem>>)
      %dma_wait3A_96 = arith.constant 0 : i32
      %dma_wait3A_97 = arith.constant 0 : i32
      %dma_wait3A_98 = tpu.memref_slice %arg2[%dma_wait3A_96, %dma_wait3A_97] : memref<10000x128xf32, #tpu.memory_space<hbm>> -> memref<128x128xf32, #tpu.memory_space<hbm>>
      %dma_wait3A_99 = arith.constant 0 : i32
      %dma_wait3A_100 = arith.constant 0 : i32
      %dma_wait3A_101 = tpu.memref_slice %arg2[%dma_wait3A_99, %dma_wait3A_100] : memref<10000x128xf32, #tpu.memory_space<hbm>> -> memref<128x128xf32, #tpu.memory_space<hbm>>
      tpu.wait_dma2 semaphore(%arg14 : memref<!tpu.dma_semaphore, #tpu.memory_space<semaphore_mem>>) src(%dma_wait3A_101 : memref<128x128xf32, #tpu.memory_space<hbm>>) dst(%arg11 : memref<128x128xf32, #tpu.memory_space<vmem>>)
      %dma_wait3A_102 = arith.constant 0 : i32
      %dma_wait3A_103 = tpu.memref_slice %arg4[%dma_wait3A_102] : memref<327680xi32, #tpu.memory_space<hbm>> -> memref<128xi32, #tpu.memory_space<hbm>>
      %dma_wait3A_104 = arith.constant 0 : i32
      %dma_wait3A_105 = tpu.memref_slice %arg4[%dma_wait3A_104] : memref<327680xi32, #tpu.memory_space<hbm>> -> memref<128xi32, #tpu.memory_space<hbm>>
      tpu.wait_dma2 semaphore(%arg16 : memref<!tpu.dma_semaphore, #tpu.memory_space<semaphore_mem>>) src(%dma_wait3A_105 : memref<128xi32, #tpu.memory_space<hbm>>) dst(%arg9 : memref<128xi32, #tpu.memory_space<vmem>>)
      "tpu.region"() ({
        %run_scoped3A = tpu.sem_alloc : memref<!tpu.dma_semaphore, #tpu.memory_space<semaphore_mem>>
        %dma_start3A_127 = arith.constant 0 : i32
        %dma_start3A_128 = arith.constant 0 : i32
        %dma_start3A_129 = tpu.memref_slice %arg12[%dma_start3A_127, %dma_start3A_128] : memref<10112x128xf32, #tpu.memory_space<vmem_shared>> -> memref<10112x128xf32, #tpu.memory_space<vmem_shared>>
        tpu.enqueue_indirect_dma source(%arg11 : memref<128x128xf32, #tpu.memory_space<vmem>>) target(%dma_start3A_129 : memref<10112x128xf32, #tpu.memory_space<vmem_shared>>) offsets(%arg9 : memref<128xi32, #tpu.memory_space<vmem>>) semaphore(%run_scoped3A : memref<!tpu.dma_semaphore, #tpu.memory_space<semaphore_mem>>) {add = true}
        %dma_wait3A_130 = arith.constant 0 : i32
        %dma_wait3A_131 = arith.constant 0 : i32
        %dma_wait3A_132 = tpu.memref_slice %arg12[%dma_wait3A_130, %dma_wait3A_131] : memref<10112x128xf32, #tpu.memory_space<vmem_shared>> -> memref<10112x128xf32, #tpu.memory_space<vmem_shared>>
        tpu.wait_indirect_dma semaphore(%run_scoped3A : memref<!tpu.dma_semaphore, #tpu.memory_space<semaphore_mem>>) src(%arg11 : memref<128x128xf32, #tpu.memory_space<vmem>>) dst(%dma_wait3A_132 : memref<10112x128xf32, #tpu.memory_space<vmem_shared>>)
        tpu.yield
      }) : () -> ()
      %mul3A_106 = arith.constant 2 : i32
      %mul3A_107 = arith.muli %mul3A_106, %scan3A_64 : i32
      %add3A_108 = arith.constant 3 : i32
      %add3A_109 = arith.addi %mul3A_107, %add3A_108 : i32
      %min3A_110 = arith.constant 79 : i32
      %min3A_111 = arith.minsi %add3A_109, %min3A_110 : i32
      %mul3A_112 = arith.constant 80 : i32
      %mul3A_113 = arith.muli %add3A, %mul3A_112 : i32
      %add3A_114 = arith.addi %mul3A_113, %min3A_111 : i32
      %mul3A_115 = arith.constant 128 : i32
      %mul3A_116 = arith.muli %add3A_114, %mul3A_115 : i32
      %multiple_of3A_117 = tpu.assume_multiple %mul3A_116, 8 : i32
      %dma_start3A_118 = tpu.memref_slice %arg4[%multiple_of3A_117] : memref<327680xi32, #tpu.memory_space<hbm>> -> memref<128xi32, #tpu.memory_space<hbm>>
      %dma_start3A_119 = tpu.memref_slice %arg4[%multiple_of3A_117] : memref<327680xi32, #tpu.memory_space<hbm>> -> memref<128xi32, #tpu.memory_space<hbm>>
      tpu.enqueue_dma source(%dma_start3A_119 : memref<128xi32, #tpu.memory_space<hbm>>) target(%arg9 : memref<128xi32, #tpu.memory_space<vmem>>) target_semaphore(%arg16 : memref<!tpu.dma_semaphore, #tpu.memory_space<semaphore_mem>>)
      %dma_start3A_120 = arith.constant 0 : i32
      %dma_start3A_121 = tpu.memref_slice %arg7[%min3A_111, %dma_start3A_120] : memref<80x128xi32, #tpu.memory_space<vmem>> -> memref<1x128xi32, #tpu.memory_space<vmem>>
      %dma_start3A_122 = tpu.memref_squeeze %dma_start3A_121 : memref<1x128xi32, #tpu.memory_space<vmem>> -> memref<128xi32, #tpu.memory_space<vmem>>
      %dma_start3A_123 = arith.constant 0 : i32
      %dma_start3A_124 = arith.constant 0 : i32
      %dma_start3A_125 = tpu.memref_slice %arg2[%dma_start3A_123, %dma_start3A_124] : memref<10000x128xf32, #tpu.memory_space<hbm>> -> memref<10000x128xf32, #tpu.memory_space<hbm>>
      tpu.enqueue_indirect_dma source(%dma_start3A_125 : memref<10000x128xf32, #tpu.memory_space<hbm>>) target(%arg11 : memref<128x128xf32, #tpu.memory_space<vmem>>) offsets(%dma_start3A_122 : memref<128xi32, #tpu.memory_space<vmem>>) semaphore(%arg14 : memref<!tpu.dma_semaphore, #tpu.memory_space<semaphore_mem>>)
      %scan3A_126 = arith.constant 0 : i32
      scf.yield %scan3A_126 : i32
    }
    %scan3A_39 = arith.constant 40 : i32
    %dma_wait3A = arith.constant 0 : i32
    %dma_wait3A_40 = arith.constant 0 : i32
    %dma_wait3A_41 = tpu.memref_slice %arg2[%dma_wait3A, %dma_wait3A_40] : memref<10000x128xf32, #tpu.memory_space<hbm>> -> memref<128x128xf32, #tpu.memory_space<hbm>>
    %dma_wait3A_42 = arith.constant 0 : i32
    %dma_wait3A_43 = arith.constant 0 : i32
    %dma_wait3A_44 = tpu.memref_slice %arg2[%dma_wait3A_42, %dma_wait3A_43] : memref<10000x128xf32, #tpu.memory_space<hbm>> -> memref<128x128xf32, #tpu.memory_space<hbm>>
    tpu.wait_dma2 semaphore(%arg13 : memref<!tpu.dma_semaphore, #tpu.memory_space<semaphore_mem>>) src(%dma_wait3A_44 : memref<128x128xf32, #tpu.memory_space<hbm>>) dst(%arg10 : memref<128x128xf32, #tpu.memory_space<vmem>>)
    %dma_wait3A_45 = arith.constant 0 : i32
    %dma_wait3A_46 = arith.constant 0 : i32
    %dma_wait3A_47 = tpu.memref_slice %arg2[%dma_wait3A_45, %dma_wait3A_46] : memref<10000x128xf32, #tpu.memory_space<hbm>> -> memref<128x128xf32, #tpu.memory_space<hbm>>
    %dma_wait3A_48 = arith.constant 0 : i32
    %dma_wait3A_49 = arith.constant 0 : i32
    %dma_wait3A_50 = tpu.memref_slice %arg2[%dma_wait3A_48, %dma_wait3A_49] : memref<10000x128xf32, #tpu.memory_space<hbm>> -> memref<128x128xf32, #tpu.memory_space<hbm>>
    tpu.wait_dma2 semaphore(%arg14 : memref<!tpu.dma_semaphore, #tpu.memory_space<semaphore_mem>>) src(%dma_wait3A_50 : memref<128x128xf32, #tpu.memory_space<hbm>>) dst(%arg11 : memref<128x128xf32, #tpu.memory_space<vmem>>)
    %dma_wait3A_51 = arith.constant 0 : i32
    %dma_wait3A_52 = tpu.memref_slice %arg4[%dma_wait3A_51] : memref<327680xi32, #tpu.memory_space<hbm>> -> memref<128xi32, #tpu.memory_space<hbm>>
    %dma_wait3A_53 = arith.constant 0 : i32
    %dma_wait3A_54 = tpu.memref_slice %arg4[%dma_wait3A_53] : memref<327680xi32, #tpu.memory_space<hbm>> -> memref<128xi32, #tpu.memory_space<hbm>>
    tpu.wait_dma2 semaphore(%arg15 : memref<!tpu.dma_semaphore, #tpu.memory_space<semaphore_mem>>) src(%dma_wait3A_54 : memref<128xi32, #tpu.memory_space<hbm>>) dst(%arg8 : memref<128xi32, #tpu.memory_space<vmem>>)
    %dma_wait3A_55 = arith.constant 0 : i32
    %dma_wait3A_56 = tpu.memref_slice %arg4[%dma_wait3A_55] : memref<327680xi32, #tpu.memory_space<hbm>> -> memref<128xi32, #tpu.memory_space<hbm>>
    %dma_wait3A_57 = arith.constant 0 : i32
    %dma_wait3A_58 = tpu.memref_slice %arg4[%dma_wait3A_57] : memref<327680xi32, #tpu.memory_space<hbm>> -> memref<128xi32, #tpu.memory_space<hbm>>
    tpu.wait_dma2 semaphore(%arg16 : memref<!tpu.dma_semaphore, #tpu.memory_space<semaphore_mem>>) src(%dma_wait3A_58 : memref<128xi32, #tpu.memory_space<hbm>>) dst(%arg9 : memref<128xi32, #tpu.memory_space<vmem>>)
    %barrier3A_59 = arith.constant 0 : index
    tpu.barrier barrier_id(%barrier3A_59)
    %mul3A_60 = arith.constant 632 : i32
    %mul3A_61 = arith.muli %arg1, %mul3A_60 : i32
    %mul3A_62 = arith.constant 632 : i32
    %mul3A_63 = arith.muli %arg1, %mul3A_62 : i32
    "tpu.region"() ({
      %run_scoped3A = tpu.sem_alloc : memref<!tpu.dma_semaphore, #tpu.memory_space<semaphore_mem>>
      %dma_start3A_64 = arith.constant 0 : i32
      %dma_start3A_65 = tpu.memref_slice %arg6[%arg0, %mul3A_63, %dma_start3A_64] : memref<2x10112x128xf32, #tpu.memory_space<hbm>> -> memref<1x632x128xf32, #tpu.memory_space<hbm>>
      %dma_start3A_66 = tpu.memref_squeeze %dma_start3A_65 : memref<1x632x128xf32, #tpu.memory_space<hbm>> -> memref<632x128xf32, #tpu.memory_space<hbm>>
      %dma_start3A_67 = arith.constant 0 : i32
      %dma_start3A_68 = tpu.memref_slice %arg12[%mul3A_61, %dma_start3A_67] : memref<10112x128xf32, #tpu.memory_space<vmem_shared>> -> memref<632x128xf32, #tpu.memory_space<vmem_shared>>
      tpu.enqueue_dma source(%dma_start3A_68 : memref<632x128xf32, #tpu.memory_space<vmem_shared>>) target(%dma_start3A_66 : memref<632x128xf32, #tpu.memory_space<hbm>>) target_semaphore(%run_scoped3A : memref<!tpu.dma_semaphore, #tpu.memory_space<semaphore_mem>>)
      %dma_wait3A_69 = arith.constant 0 : i32
      %dma_wait3A_70 = tpu.memref_slice %arg6[%arg0, %mul3A_63, %dma_wait3A_69] : memref<2x10112x128xf32, #tpu.memory_space<hbm>> -> memref<1x632x128xf32, #tpu.memory_space<hbm>>
      %dma_wait3A_71 = tpu.memref_squeeze %dma_wait3A_70 : memref<1x632x128xf32, #tpu.memory_space<hbm>> -> memref<632x128xf32, #tpu.memory_space<hbm>>
      %dma_wait3A_72 = arith.constant 0 : i32
      %dma_wait3A_73 = tpu.memref_slice %arg12[%mul3A_61, %dma_wait3A_72] : memref<10112x128xf32, #tpu.memory_space<vmem_shared>> -> memref<632x128xf32, #tpu.memory_space<vmem_shared>>
      tpu.wait_dma2 semaphore(%run_scoped3A : memref<!tpu.dma_semaphore, #tpu.memory_space<semaphore_mem>>) src(%dma_wait3A_73 : memref<632x128xf32, #tpu.memory_space<vmem_shared>>) dst(%dma_wait3A_71 : memref<632x128xf32, #tpu.memory_space<hbm>>)
      tpu.yield
    }) : () -> ()
    return
  }
}

#map = affine_map<(d0, d1) -> (0)>
#map1 = affine_map<(d0, d1) -> (0, 0)>
#map2 = affine_map<(d0, d1) -> (0, 0, 0)>
module attributes {stable_mosaic.version = 14 : i64} {
  func.func @_deg_kernel(%arg0: i32, %arg1: i32, %arg2: memref<320000xi32, #tpu.memory_space<hbm>>, %arg3: memref<80x128xf32, #tpu.memory_space<hbm>>, %arg4: memref<2x80x128xf32, #tpu.memory_space<hbm>>, %arg5: memref<10000xi32, #tpu.memory_space<vmem>>, %arg6: memref<80x128xf32, #tpu.memory_space<vmem>>, %arg7: memref<80xi32, #tpu.memory_space<vmem>>, %arg8: memref<80x128xf32, #tpu.memory_space<vmem_shared>>) attributes {dimension_semantics = [#tpu.dimension_semantics<core_parallel>, #tpu.dimension_semantics<subcore_parallel>], iteration_bounds = array<i64: 2, 16>, scalar_prefetch = 0 : i64, scratch_operands = 4 : i64, tpu.core_type = #tpu.core_type<sc_vector_subcore>, window_params = [{transform_indices = #map}, {transform_indices = #map1}, {transform_indices = #map2}]} {
    %mul3A = arith.constant 2 : i32
    %mul3A_0 = arith.muli %arg1, %mul3A : i32
    %add3A = arith.addi %mul3A_0, %arg0 : i32
    %eq3A = arith.constant 0 : i32
    %eq3A_1 = arith.cmpi eq, %arg1, %eq3A : i32
    %convert_element_type3A = arith.extui %eq3A_1 : i1 to i32
    %cond3A = arith.constant 0 : i32
    %cond3A_2 = arith.cmpi ne, %convert_element_type3A, %cond3A : i32
    scf.if %cond3A_2 {
      "tpu.region"() ({
        %run_scoped3A = tpu.sem_alloc : memref<!tpu.dma_semaphore, #tpu.memory_space<semaphore_mem>>
        tpu.enqueue_dma source(%arg3 : memref<80x128xf32, #tpu.memory_space<hbm>>) target(%arg8 : memref<80x128xf32, #tpu.memory_space<vmem_shared>>) target_semaphore(%run_scoped3A : memref<!tpu.dma_semaphore, #tpu.memory_space<semaphore_mem>>)
        tpu.wait_dma2 semaphore(%run_scoped3A : memref<!tpu.dma_semaphore, #tpu.memory_space<semaphore_mem>>) src(%arg3 : memref<80x128xf32, #tpu.memory_space<hbm>>) dst(%arg8 : memref<80x128xf32, #tpu.memory_space<vmem_shared>>)
        tpu.yield
      }) : () -> ()
    } else {
    }
    "tpu.region"() ({
      %run_scoped3A = tpu.sem_alloc : memref<!tpu.dma_semaphore, #tpu.memory_space<semaphore_mem>>
      tpu.enqueue_dma source(%arg3 : memref<80x128xf32, #tpu.memory_space<hbm>>) target(%arg6 : memref<80x128xf32, #tpu.memory_space<vmem>>) target_semaphore(%run_scoped3A : memref<!tpu.dma_semaphore, #tpu.memory_space<semaphore_mem>>)
      tpu.wait_dma2 semaphore(%run_scoped3A : memref<!tpu.dma_semaphore, #tpu.memory_space<semaphore_mem>>) src(%arg3 : memref<80x128xf32, #tpu.memory_space<hbm>>) dst(%arg6 : memref<80x128xf32, #tpu.memory_space<vmem>>)
      tpu.yield
    }) : () -> ()
    %iota3A = tpu.iota {dimensions = array<i32: 0>} : vector<16xi32>
    %add3A_3 = arith.constant 0 : i32
    %add3A_4 = vector.broadcast %add3A_3 : i32 to vector<16xi32>
    %add3A_5 = arith.addi %iota3A, %add3A_4 : vector<16xi32>
    %swap3A = arith.constant 0 : index
    %swap3A_6 = tpu.vector_load %arg7[%swap3A] {strides = array<i32>} : memref<80xi32, #tpu.memory_space<vmem>>, vector<16xi32>,
    tpu.vector_store %arg7[%swap3A], %add3A_5 {strides = array<i32>} : memref<80xi32, #tpu.memory_space<vmem>>, vector<16xi32>,
    %add3A_7 = arith.constant 16 : i32
    %add3A_8 = vector.broadcast %add3A_7 : i32 to vector<16xi32>
    %add3A_9 = arith.addi %iota3A, %add3A_8 : vector<16xi32>
    %swap3A_10 = arith.constant 16 : index
    %swap3A_11 = tpu.vector_load %arg7[%swap3A_10] {strides = array<i32>} : memref<80xi32, #tpu.memory_space<vmem>>, vector<16xi32>,
    tpu.vector_store %arg7[%swap3A_10], %add3A_9 {strides = array<i32>} : memref<80xi32, #tpu.memory_space<vmem>>, vector<16xi32>,
    %add3A_12 = arith.constant 32 : i32
    %add3A_13 = vector.broadcast %add3A_12 : i32 to vector<16xi32>
    %add3A_14 = arith.addi %iota3A, %add3A_13 : vector<16xi32>
    %swap3A_15 = arith.constant 32 : index
    %swap3A_16 = tpu.vector_load %arg7[%swap3A_15] {strides = array<i32>} : memref<80xi32, #tpu.memory_space<vmem>>, vector<16xi32>,
    tpu.vector_store %arg7[%swap3A_15], %add3A_14 {strides = array<i32>} : memref<80xi32, #tpu.memory_space<vmem>>, vector<16xi32>,
    %add3A_17 = arith.constant 48 : i32
    %add3A_18 = vector.broadcast %add3A_17 : i32 to vector<16xi32>
    %add3A_19 = arith.addi %iota3A, %add3A_18 : vector<16xi32>
    %swap3A_20 = arith.constant 48 : index
    %swap3A_21 = tpu.vector_load %arg7[%swap3A_20] {strides = array<i32>} : memref<80xi32, #tpu.memory_space<vmem>>, vector<16xi32>,
    tpu.vector_store %arg7[%swap3A_20], %add3A_19 {strides = array<i32>} : memref<80xi32, #tpu.memory_space<vmem>>, vector<16xi32>,
    %add3A_22 = arith.constant 64 : i32
    %add3A_23 = vector.broadcast %add3A_22 : i32 to vector<16xi32>
    %add3A_24 = arith.addi %iota3A, %add3A_23 : vector<16xi32>
    %swap3A_25 = arith.constant 64 : index
    %swap3A_26 = tpu.vector_load %arg7[%swap3A_25] {strides = array<i32>} : memref<80xi32, #tpu.memory_space<vmem>>, vector<16xi32>,
    tpu.vector_store %arg7[%swap3A_25], %add3A_24 {strides = array<i32>} : memref<80xi32, #tpu.memory_space<vmem>>, vector<16xi32>,
    %barrier3A = arith.constant 0 : index
    tpu.barrier barrier_id(%barrier3A)
    %broadcast_in_dim3A = arith.constant 1.000000e+00 : f32
    %broadcast_in_dim3A_27 = vector.broadcast %broadcast_in_dim3A : f32 to vector<16xf32>
    %mul3A_28 = arith.constant 10000 : i32
    %mul3A_29 = arith.muli %add3A, %mul3A_28 : i32
    %multiple_of3A = tpu.assume_multiple %mul3A_29, 8 : i32
    "tpu.region"() ({
      %run_scoped3A = tpu.sem_alloc : memref<!tpu.dma_semaphore, #tpu.memory_space<semaphore_mem>>
      %dma_start3A = tpu.memref_slice %arg2[%multiple_of3A] : memref<320000xi32, #tpu.memory_space<hbm>> -> memref<10000xi32, #tpu.memory_space<hbm>>
      %dma_start3A_42 = tpu.memref_slice %arg2[%multiple_of3A] : memref<320000xi32, #tpu.memory_space<hbm>> -> memref<10000xi32, #tpu.memory_space<hbm>>
      tpu.enqueue_dma source(%dma_start3A_42 : memref<10000xi32, #tpu.memory_space<hbm>>) target(%arg5 : memref<10000xi32, #tpu.memory_space<vmem>>) target_semaphore(%run_scoped3A : memref<!tpu.dma_semaphore, #tpu.memory_space<semaphore_mem>>)
      %dma_wait3A = tpu.memref_slice %arg2[%multiple_of3A] : memref<320000xi32, #tpu.memory_space<hbm>> -> memref<10000xi32, #tpu.memory_space<hbm>>
      %dma_wait3A_43 = tpu.memref_slice %arg2[%multiple_of3A] : memref<320000xi32, #tpu.memory_space<hbm>> -> memref<10000xi32, #tpu.memory_space<hbm>>
      tpu.wait_dma2 semaphore(%run_scoped3A : memref<!tpu.dma_semaphore, #tpu.memory_space<semaphore_mem>>) src(%dma_wait3A_43 : memref<10000xi32, #tpu.memory_space<hbm>>) dst(%arg5 : memref<10000xi32, #tpu.memory_space<vmem>>)
      tpu.yield
    }) : () -> ()
    %scan3A = arith.constant 0 : i32
    %scan3A_30 = arith.constant 0 : i32
    %scan3A_31 = arith.constant 125 : i32
    %scan3A_32 = arith.addi %scan3A_30, %scan3A_31 : i32
    %scan3A_33 = arith.constant 1 : i32
    %scan3A_34 = scf.for %scan3A_42 = %scan3A_30 to %scan3A_32 step %scan3A_33 iter_args(%scan3A_43 = %scan3A) -> (i32)  : i32 {
      %mul3A_44 = arith.constant 5 : i32
      %mul3A_45 = arith.muli %scan3A_42, %mul3A_44 : i32
      %add3A_46 = arith.constant 0 : i32
      %add3A_47 = arith.addi %mul3A_45, %add3A_46 : i32
      %mul3A_48 = arith.constant 16 : i32
      %mul3A_49 = arith.muli %add3A_47, %mul3A_48 : i32
      %get3A = arith.index_cast %mul3A_49 : i32 to index
      %get3A_50 = tpu.vector_load %arg5[%get3A] {strides = array<i32>} : memref<10000xi32, #tpu.memory_space<vmem>>, vector<16xi32>,
      %shift_right_arithmetic3A = arith.constant 7 : i32
      %shift_right_arithmetic3A_51 = vector.broadcast %shift_right_arithmetic3A : i32 to vector<16xi32>
      %shift_right_arithmetic3A_52 = arith.shrsi %get3A_50, %shift_right_arithmetic3A_51 : vector<16xi32>
      %and3A = arith.constant 127 : i32
      %and3A_53 = vector.broadcast %and3A : i32 to vector<16xi32>
      %and3A_54 = arith.andi %get3A_50, %and3A_53 : vector<16xi32>
      tpu.vector_store_idx %arg6[%shift_right_arithmetic3A_52, %and3A_54], %broadcast_in_dim3A_27 {add = true} : memref<80x128xf32, #tpu.memory_space<vmem>>[vector<16xi32>, vector<16xi32>], vector<16xf32>,
      %mul3A_55 = arith.constant 5 : i32
      %mul3A_56 = arith.muli %scan3A_42, %mul3A_55 : i32
      %add3A_57 = arith.constant 1 : i32
      %add3A_58 = arith.addi %mul3A_56, %add3A_57 : i32
      %mul3A_59 = arith.constant 16 : i32
      %mul3A_60 = arith.muli %add3A_58, %mul3A_59 : i32
      %get3A_61 = arith.index_cast %mul3A_60 : i32 to index
      %get3A_62 = tpu.vector_load %arg5[%get3A_61] {strides = array<i32>} : memref<10000xi32, #tpu.memory_space<vmem>>, vector<16xi32>,
      %shift_right_arithmetic3A_63 = arith.constant 7 : i32
      %shift_right_arithmetic3A_64 = vector.broadcast %shift_right_arithmetic3A_63 : i32 to vector<16xi32>
      %shift_right_arithmetic3A_65 = arith.shrsi %get3A_62, %shift_right_arithmetic3A_64 : vector<16xi32>
      %and3A_66 = arith.constant 127 : i32
      %and3A_67 = vector.broadcast %and3A_66 : i32 to vector<16xi32>
      %and3A_68 = arith.andi %get3A_62, %and3A_67 : vector<16xi32>
      tpu.vector_store_idx %arg6[%shift_right_arithmetic3A_65, %and3A_68], %broadcast_in_dim3A_27 {add = true} : memref<80x128xf32, #tpu.memory_space<vmem>>[vector<16xi32>, vector<16xi32>], vector<16xf32>,
      %mul3A_69 = arith.constant 5 : i32
      %mul3A_70 = arith.muli %scan3A_42, %mul3A_69 : i32
      %add3A_71 = arith.constant 2 : i32
      %add3A_72 = arith.addi %mul3A_70, %add3A_71 : i32
      %mul3A_73 = arith.constant 16 : i32
      %mul3A_74 = arith.muli %add3A_72, %mul3A_73 : i32
      %get3A_75 = arith.index_cast %mul3A_74 : i32 to index
      %get3A_76 = tpu.vector_load %arg5[%get3A_75] {strides = array<i32>} : memref<10000xi32, #tpu.memory_space<vmem>>, vector<16xi32>,
      %shift_right_arithmetic3A_77 = arith.constant 7 : i32
      %shift_right_arithmetic3A_78 = vector.broadcast %shift_right_arithmetic3A_77 : i32 to vector<16xi32>
      %shift_right_arithmetic3A_79 = arith.shrsi %get3A_76, %shift_right_arithmetic3A_78 : vector<16xi32>
      %and3A_80 = arith.constant 127 : i32
      %and3A_81 = vector.broadcast %and3A_80 : i32 to vector<16xi32>
      %and3A_82 = arith.andi %get3A_76, %and3A_81 : vector<16xi32>
      tpu.vector_store_idx %arg6[%shift_right_arithmetic3A_79, %and3A_82], %broadcast_in_dim3A_27 {add = true} : memref<80x128xf32, #tpu.memory_space<vmem>>[vector<16xi32>, vector<16xi32>], vector<16xf32>,
      %mul3A_83 = arith.constant 5 : i32
      %mul3A_84 = arith.muli %scan3A_42, %mul3A_83 : i32
      %add3A_85 = arith.constant 3 : i32
      %add3A_86 = arith.addi %mul3A_84, %add3A_85 : i32
      %mul3A_87 = arith.constant 16 : i32
      %mul3A_88 = arith.muli %add3A_86, %mul3A_87 : i32
      %get3A_89 = arith.index_cast %mul3A_88 : i32 to index
      %get3A_90 = tpu.vector_load %arg5[%get3A_89] {strides = array<i32>} : memref<10000xi32, #tpu.memory_space<vmem>>, vector<16xi32>,
      %shift_right_arithmetic3A_91 = arith.constant 7 : i32
      %shift_right_arithmetic3A_92 = vector.broadcast %shift_right_arithmetic3A_91 : i32 to vector<16xi32>
      %shift_right_arithmetic3A_93 = arith.shrsi %get3A_90, %shift_right_arithmetic3A_92 : vector<16xi32>
      %and3A_94 = arith.constant 127 : i32
      %and3A_95 = vector.broadcast %and3A_94 : i32 to vector<16xi32>
      %and3A_96 = arith.andi %get3A_90, %and3A_95 : vector<16xi32>
      tpu.vector_store_idx %arg6[%shift_right_arithmetic3A_93, %and3A_96], %broadcast_in_dim3A_27 {add = true} : memref<80x128xf32, #tpu.memory_space<vmem>>[vector<16xi32>, vector<16xi32>], vector<16xf32>,
      %mul3A_97 = arith.constant 5 : i32
      %mul3A_98 = arith.muli %scan3A_42, %mul3A_97 : i32
      %add3A_99 = arith.constant 4 : i32
      %add3A_100 = arith.addi %mul3A_98, %add3A_99 : i32
      %mul3A_101 = arith.constant 16 : i32
      %mul3A_102 = arith.muli %add3A_100, %mul3A_101 : i32
      %get3A_103 = arith.index_cast %mul3A_102 : i32 to index
      %get3A_104 = tpu.vector_load %arg5[%get3A_103] {strides = array<i32>} : memref<10000xi32, #tpu.memory_space<vmem>>, vector<16xi32>,
      %shift_right_arithmetic3A_105 = arith.constant 7 : i32
      %shift_right_arithmetic3A_106 = vector.broadcast %shift_right_arithmetic3A_105 : i32 to vector<16xi32>
      %shift_right_arithmetic3A_107 = arith.shrsi %get3A_104, %shift_right_arithmetic3A_106 : vector<16xi32>
      %and3A_108 = arith.constant 127 : i32
      %and3A_109 = vector.broadcast %and3A_108 : i32 to vector<16xi32>
      %and3A_110 = arith.andi %get3A_104, %and3A_109 : vector<16xi32>
      tpu.vector_store_idx %arg6[%shift_right_arithmetic3A_107, %and3A_110], %broadcast_in_dim3A_27 {add = true} : memref<80x128xf32, #tpu.memory_space<vmem>>[vector<16xi32>, vector<16xi32>], vector<16xf32>,
      %scan3A_111 = arith.constant 0 : i32
      scf.yield %scan3A_111 : i32
    }
    %scan3A_35 = arith.constant 125 : i32
    "tpu.region"() ({
      %run_scoped3A = tpu.sem_alloc : memref<!tpu.dma_semaphore, #tpu.memory_space<semaphore_mem>>
      %dma_start3A = arith.constant 0 : i32
      %dma_start3A_42 = arith.constant 0 : i32
      %dma_start3A_43 = tpu.memref_slice %arg8[%dma_start3A, %dma_start3A_42] : memref<80x128xf32, #tpu.memory_space<vmem_shared>> -> memref<80x128xf32, #tpu.memory_space<vmem_shared>>
      tpu.enqueue_indirect_dma source(%arg6 : memref<80x128xf32, #tpu.memory_space<vmem>>) target(%dma_start3A_43 : memref<80x128xf32, #tpu.memory_space<vmem_shared>>) offsets(%arg7 : memref<80xi32, #tpu.memory_space<vmem>>) semaphore(%run_scoped3A : memref<!tpu.dma_semaphore, #tpu.memory_space<semaphore_mem>>) {add = true}
      %dma_wait3A = arith.constant 0 : i32
      %dma_wait3A_44 = arith.constant 0 : i32
      %dma_wait3A_45 = tpu.memref_slice %arg8[%dma_wait3A, %dma_wait3A_44] : memref<80x128xf32, #tpu.memory_space<vmem_shared>> -> memref<80x128xf32, #tpu.memory_space<vmem_shared>>
      tpu.wait_indirect_dma semaphore(%run_scoped3A : memref<!tpu.dma_semaphore, #tpu.memory_space<semaphore_mem>>) src(%arg6 : memref<80x128xf32, #tpu.memory_space<vmem>>) dst(%dma_wait3A_45 : memref<80x128xf32, #tpu.memory_space<vmem_shared>>)
      tpu.yield
    }) : () -> ()
    %barrier3A_36 = arith.constant 0 : index
    tpu.barrier barrier_id(%barrier3A_36)
    %eq3A_37 = arith.constant 0 : i32
    %eq3A_38 = arith.cmpi eq, %arg1, %eq3A_37 : i32
    %convert_element_type3A_39 = arith.extui %eq3A_38 : i1 to i32
    %cond3A_40 = arith.constant 0 : i32
    %cond3A_41 = arith.cmpi ne, %convert_element_type3A_39, %cond3A_40 : i32
    scf.if %cond3A_41 {
      "tpu.region"() ({
        %run_scoped3A = tpu.sem_alloc : memref<!tpu.dma_semaphore, #tpu.memory_space<semaphore_mem>>
        %dma_start3A = arith.constant 0 : i32
        %dma_start3A_42 = arith.constant 0 : i32
        %dma_start3A_43 = tpu.memref_slice %arg4[%arg0, %dma_start3A, %dma_start3A_42] : memref<2x80x128xf32, #tpu.memory_space<hbm>> -> memref<1x80x128xf32, #tpu.memory_space<hbm>>
        %dma_start3A_44 = tpu.memref_squeeze %dma_start3A_43 : memref<1x80x128xf32, #tpu.memory_space<hbm>> -> memref<80x128xf32, #tpu.memory_space<hbm>>
        tpu.enqueue_dma source(%arg8 : memref<80x128xf32, #tpu.memory_space<vmem_shared>>) target(%dma_start3A_44 : memref<80x128xf32, #tpu.memory_space<hbm>>) target_semaphore(%run_scoped3A : memref<!tpu.dma_semaphore, #tpu.memory_space<semaphore_mem>>)
        %dma_wait3A = arith.constant 0 : i32
        %dma_wait3A_45 = arith.constant 0 : i32
        %dma_wait3A_46 = tpu.memref_slice %arg4[%arg0, %dma_wait3A, %dma_wait3A_45] : memref<2x80x128xf32, #tpu.memory_space<hbm>> -> memref<1x80x128xf32, #tpu.memory_space<hbm>>
        %dma_wait3A_47 = tpu.memref_squeeze %dma_wait3A_46 : memref<1x80x128xf32, #tpu.memory_space<hbm>> -> memref<80x128xf32, #tpu.memory_space<hbm>>
        tpu.wait_dma2 semaphore(%run_scoped3A : memref<!tpu.dma_semaphore, #tpu.memory_space<semaphore_mem>>) src(%arg8 : memref<80x128xf32, #tpu.memory_space<vmem_shared>>) dst(%dma_wait3A_47 : memref<80x128xf32, #tpu.memory_space<hbm>>)
        tpu.yield
      }) : () -> ()
    } else {
    }
    return
  }
}

module attributes {stable_mosaic.version = 14 : i64} {
  func.func @_mm_body(%arg0: memref<10000x128xf32, #tpu.memory_space<vmem>>, %arg1: memref<128x128xf32, #tpu.memory_space<vmem>>, %arg2: memref<2x10240x1xf32, #tpu.memory_space<vmem>>, %arg3: memref<10000x128xf32, #tpu.memory_space<vmem>>, %arg4: memref<10240x1xf32, #tpu.memory_space<vmem>>) attributes {dimension_semantics = [], scalar_prefetch = 0 : i64, scratch_operands = 0 : i64, tpu.core_type = #tpu.core_type<tc>} {
    %get3A = arith.constant 0 : index
    %get3A_0 = arith.constant 0 : index
    %get3A_1 = arith.constant 0 : index
    %get3A_2 = vector.load %arg2[%get3A, %get3A_0, %get3A_1] : memref<2x10240x1xf32, #tpu.memory_space<vmem>>, vector<1x10240x1xf32>
    %get3A_3 = vector.shape_cast %get3A_2 : vector<1x10240x1xf32> to vector<10240x1xf32>
    %get3A_4 = arith.constant 1 : index
    %get3A_5 = arith.constant 0 : index
    %get3A_6 = arith.constant 0 : index
    %get3A_7 = vector.load %arg2[%get3A_4, %get3A_5, %get3A_6] : memref<2x10240x1xf32, #tpu.memory_space<vmem>>, vector<1x10240x1xf32>
    %get3A_8 = vector.shape_cast %get3A_7 : vector<1x10240x1xf32> to vector<10240x1xf32>
    %add3A = arith.addf %get3A_3, %get3A_8 : vector<10240x1xf32>
    %max3A = arith.constant 1.000000e+00 : f32
    %max3A_9 = vector.broadcast %max3A : f32 to vector<10240x1xf32>
    %max3A_10 = arith.maximumf %add3A, %max3A_9 : vector<10240x1xf32>
    %rsqrt3A = math.rsqrt %max3A_10 : vector<10240x1xf32>
    %swap3A = arith.constant 0 : index
    %swap3A_11 = arith.constant 0 : index
    %swap3A_12 = vector.load %arg4[%swap3A, %swap3A_11] : memref<10240x1xf32, #tpu.memory_space<vmem>>, vector<10240x1xf32>
    tpu.vector_store %arg4[%swap3A, %swap3A_11], %rsqrt3A {strides = array<i32>} : memref<10240x1xf32, #tpu.memory_space<vmem>>, vector<10240x1xf32>,
    %get3A_13 = arith.constant 0 : index
    %get3A_14 = arith.constant 0 : index
    %get3A_15 = vector.load %arg0[%get3A_13, %get3A_14] : memref<10000x128xf32, #tpu.memory_space<vmem>>, vector<10000x128xf32>
    %get3A_16 = arith.constant 0 : index
    %get3A_17 = arith.constant 0 : index
    %get3A_18 = vector.load %arg1[%get3A_16, %get3A_17] : memref<128x128xf32, #tpu.memory_space<vmem>>, vector<128x128xf32>
    %dot_general3A = arith.constant dense<0.000000e+00> : vector<10000x128xf32>
    %dot_general3A_19 = tpu.matmul %get3A_15, %get3A_18, %dot_general3A {dimension_numbers = #tpu.dot_dimension_numbers<[1], [1], [0], [0], [0, 0, 1, 0], [], []>, transpose_lhs_hint = false} : vector<10000x128xf32>, vector<128x128xf32>, vector<10000x128xf32> -> vector<10000x128xf32>
    %slice3A = vector.extract_strided_slice %rsqrt3A {offsets = [0, 0], sizes = [10000, 1], strides = [1, 1]} : vector<10240x1xf32> to vector<10000x1xf32>
    %mul3A = vector.broadcast %slice3A : vector<10000x1xf32> to vector<10000x128xf32>
    %mul3A_20 = arith.mulf %dot_general3A_19, %mul3A : vector<10000x128xf32>
    %swap3A_21 = arith.constant 0 : index
    %swap3A_22 = arith.constant 0 : index
    %swap3A_23 = vector.load %arg3[%swap3A_21, %swap3A_22] : memref<10000x128xf32, #tpu.memory_space<vmem>>, vector<10000x128xf32>
    tpu.vector_store %arg3[%swap3A_21, %swap3A_22], %mul3A_20 {strides = array<i32>} : memref<10000x128xf32, #tpu.memory_space<vmem>>, vector<10000x128xf32>,
    return
  }
}

module attributes {stable_mosaic.version = 14 : i64} {
  func.func @_fin_body(%arg0: memref<2x10112x128xf32, #tpu.memory_space<vmem>>, %arg1: memref<10240x1xf32, #tpu.memory_space<vmem>>, %arg2: memref<10000x128xf32, #tpu.memory_space<vmem>>) attributes {dimension_semantics = [], scalar_prefetch = 0 : i64, scratch_operands = 0 : i64, tpu.core_type = #tpu.core_type<tc>} {
    %get3A = arith.constant 0 : index
    %get3A_0 = arith.constant 0 : index
    %get3A_1 = arith.constant 0 : index
    %get3A_2 = vector.load %arg0[%get3A, %get3A_0, %get3A_1] : memref<2x10112x128xf32, #tpu.memory_space<vmem>>, vector<1x10000x128xf32>
    %get3A_3 = vector.shape_cast %get3A_2 : vector<1x10000x128xf32> to vector<10000x128xf32>
    %get3A_4 = arith.constant 1 : index
    %get3A_5 = arith.constant 0 : index
    %get3A_6 = arith.constant 0 : index
    %get3A_7 = vector.load %arg0[%get3A_4, %get3A_5, %get3A_6] : memref<2x10112x128xf32, #tpu.memory_space<vmem>>, vector<1x10000x128xf32>
    %get3A_8 = vector.shape_cast %get3A_7 : vector<1x10000x128xf32> to vector<10000x128xf32>
    %add3A = arith.addf %get3A_3, %get3A_8 : vector<10000x128xf32>
    %get3A_9 = arith.constant 0 : index
    %get3A_10 = arith.constant 0 : index
    %get3A_11 = vector.load %arg1[%get3A_9, %get3A_10] : memref<10240x1xf32, #tpu.memory_space<vmem>>, vector<10000x1xf32>
    %mul3A = vector.broadcast %get3A_11 : vector<10000x1xf32> to vector<10000x128xf32>
    %mul3A_12 = arith.mulf %add3A, %mul3A : vector<10000x128xf32>
    %swap3A = arith.constant 0 : index
    %swap3A_13 = arith.constant 0 : index
    %swap3A_14 = vector.load %arg2[%swap3A, %swap3A_13] : memref<10000x128xf32, #tpu.memory_space<vmem>>, vector<10000x128xf32>
    tpu.vector_store %arg2[%swap3A, %swap3A_13], %mul3A_12 {strides = array<i32>} : memref<10000x128xf32, #tpu.memory_space<vmem>>, vector<10000x128xf32>,
    return
  }
}

</mosaic_0001>

<sc_bundles>
// kernel: kernel.6.cloned.1.call-start
scs
__scs_entry_jumppad:
0x0: {  	(pc) =	sbr.rel $0x88, $3  }
0x1: {  	(tag) =	ssettag $0x0;
	lr =	simm.s32 $0x1  }
0x2: {  	[smem:$0x3F9E] =	sst lr;
	_ =	strace $0xD0000000  }
0x3: {  	_ = 	snop  }
0x4: {  	_ = 	snop  }
0x5: {  	_ = 	snop  }
0x6: {  	_ = 	snop  }
0x7: {  	_ = 	snop  }
__scs_overlays_trampoline_lowered:
0x8: {  	[smem:$0x3FAD] =	sst s0  }
0x9: {  	[smem:$0x3FAE] =	sst s1  }
0xa: {  	[smem:$0x3FAF] =	sst s2  }
0xb: {  	[smem:$0x3FB0] =	sst s3  }
0xc: {  	[smem:$0x3FB1] =	sst s4  }
0xd: {  	[smem:$0x3FB2] =	sst s5  }
0xe: {  	[smem:$0x3FB3] =	sst s6  }
0xf: {  	[smem:$0x3FB4] =	sst s7  }
0x10: {  	[smem:$0x3FB5] =	sst s8  }
0x11: {  	[smem:$0x3FB6] =	sst s9;
	s0 =	simm.s32 @!p0 $0x0  }
0x12: {  	s1 =	sld [smem:$0x3F9C];
	s0 =	simm.s32 @p0 $0x1  }
0x13: {  	[smem:$0x3FB7] =	sst s0;
	s0 =	simm.s32 @!p1 $0x0  }
0x14: {  	s2 =	sld [smem:$0x3F9B];
	s0 =	simm.s32 @p1 $0x1  }
0x15: {  	[smem:$0x3FB8] =	sst s0;
	s0 =	simm.s32 @!p2 $0x0  }
0x16: {  	s3 =	sld [smem:$0x3FDB];
	s0 =	simm.s32 @p2 $0x1  }
0x17: {  	s4 =	simm.s32 $0x1BF5;
	[smem:$0x3FBA] =	sst s0  }
0x18: {  	s0 =	sld [smem:$0x3F9D];
	_ =	swait.ge [sflag:s4], $0x0  }
0x19: {  	s7 =	sld [smem:$0x3F9E]  }
0x1a: {  	s8 =	sadd.s32 $0xFFFFE003, lr  }
0x1b: {  	s9 =	sadd.s32 $0xFFFFFEF7, lr;
	s5 =	simm.s32 $0xFFFFFFFF;
	p2 =	slt.u32 s8, $0xFFFFF086  }
0x1c: {  	p1 =	slt.u32 s9, $0xF7A;
	s5 =	simm.s32 @!p2 $0x0  }
0x1d: {  	s5 =	simm.s32 @p1 $0x1;
	p0 =	seq.s32 s7, s2  }
0x1e: {  	s7 =	smul.u32 @!p0 $0xF7A, s2;
	p2 =	seq.s32 @!p0 s5, $0x0  }
0x1f: {  	s9 =	smul.u32 $0xF7A, s1;
	s8 =	simm.s32 @!p0 $0x1BF5;
	p2 =	por !p2, p0  }
0x20: {  	[sflag:s8] =	ssyncset.s32 @!p0 $0xFFFFF086;
	s6 =	sadd.s32 @!p0 s3, s7;
	s7 =	simm.s32 @!p0 $0x108  }
0x21: {  	s3 =	sadd.s32 s3, s9;
	s6 =	sadd.s32 @!p0 $0x88, s6;
	s7 =	simm.s32 @p2 $0x1082  }
0x22: {  	[simem:s7], [sflag:s8] =	dma.local @!p0 [hbm:s6], $0xF7A  }
0x23: {  	s9 =	sor.u32 $0xD0000000, s2;
	s6 =	simm.s32 $0x108;
	_ =	swait.ge @!p0 [sflag:s8], $0x0  }
0x24: {  	s3 =	sadd.s32 $0x88, s3;
	s6 =	simm.s32 @!p1 $0x1082;
	[sflag:s4] =	ssyncset.s32 $0xFFFFF086  }
0x25: {  	[simem:s6], [sflag:s4] =	dma.local [hbm:s3], $0xF7A  }
0x26: {  	[smem:$0x3F9E] =	sst s1;
	(tag) =	ssettag s2;
	_ =	strace s9  }
0x27: {  	s1 =	sld [smem:$0x3FAE]  }
0x28: {  	s2 =	sld [smem:$0x3FAF]  }
0x29: {  	s4 =	sld [smem:$0x3FB1]  }
0x2a: {  	p0 =	seq.s32 s5, $0x0;
	s5 =	sld [smem:$0x3FB2]  }
0x2b: {  	s6 =	sld [smem:$0x3FB3]  }
0x2c: {  	s7 =	sld [smem:$0x3FB4]  }
0x2d: {  	s3 =	simm.s32 $0x108;
	s8 =	sld [smem:$0x3FB5]  }
0x2e: {  	s3 =	simm.s32 @!p0 $0x1082;
	s9 =	sld [smem:$0x3FB6]  }
0x2f: {  	lr =	sadd.s32 s0, s3;
	s0 =	sld [smem:$0x3FAD]  }
0x30: {  	s3 =	sld [smem:$0x3FB0]  }
0x31: {  	[smem:$0x3FB9] =	sst s10  }
0x32: {  	s10 =	sld [smem:$0x3FB7];
	_ =	sdelay $0x3  }
0x33: {  	p0 =	seq.s32 s10, $0x1;
	s10 =	sld [smem:$0x3FB9];
	_ =	sdelay $0x3  }
0x34: {  	[smem:$0x3FB9] =	sst s10  }
0x35: {  	s10 =	sld [smem:$0x3FB8];
	_ =	sdelay $0x3  }
0x36: {  	p1 =	seq.s32 s10, $0x1;
	s10 =	sld [smem:$0x3FB9];
	_ =	sdelay $0x3  }
0x37: {  	[smem:$0x3FB9] =	sst s10  }
0x38: {  	s10 =	sld [smem:$0x3FBA]  }
0x39: {  	_ = 	snop;
	(pc) =	sbr.ind lr, $3  }
0x3a: {  	_ = 	snop  }
0x3b: {  	_ = 	snop  }
0x3c: {  	p2 =	seq.s32 s10, $0x1;
	s10 =	sld [smem:$0x3FB9]  }
0x3d: {  	_ =	shalt  }
0x3e: {  	_ =	shalt  }
0x3f: {  	_ =	shalt  }
0x40: {  	_ =	shalt  }
0x41: {  	_ =	shalt  }
0x42: {  	_ =	shalt  }
0x43: {  	_ =	shalt  }
0x44: {  	_ =	shalt  }
0x45: {  	_ =	shalt  }
0x46: {  	_ =	shalt  }
0x47: {  	_ =	shalt  }
0x48: {  	_ =	shalt  }
0x49: {  	_ =	shalt  }
0x4a: {  	_ =	shalt  }
0x4b: {  	_ =	shalt  }
0x4c: {  	_ =	shalt  }
0x4d: {  	_ =	shalt  }
0x4e: {  	_ =	shalt  }
0x4f: {  	_ =	shalt  }
0x50: {  	_ =	shalt  }
0x51: {  	_ =	shalt  }
0x52: {  	_ =	shalt  }
0x53: {  	_ =	shalt  }
0x54: {  	_ =	shalt  }
0x55: {  	_ =	shalt  }
0x56: {  	_ =	shalt  }
0x57: {  	_ =	shalt  }
0x58: {  	_ =	shalt  }
0x59: {  	_ =	shalt  }
0x5a: {  	_ =	shalt  }
0x5b: {  	_ =	shalt  }
0x5c: {  	_ =	shalt  }
0x5d: {  	_ =	shalt  }
0x5e: {  	_ =	shalt  }
0x5f: {  	_ =	shalt  }
0x60: {  	_ =	shalt  }
0x61: {  	_ =	shalt  }
0x62: {  	_ =	shalt  }
0x63: {  	_ =	shalt  }
0x64: {  	_ =	shalt  }
0x65: {  	_ =	shalt  }
0x66: {  	_ =	shalt  }
0x67: {  	_ =	shalt  }
0x68: {  	_ =	shalt  }
0x69: {  	_ =	shalt  }
0x6a: {  	_ =	shalt  }
0x6b: {  	_ =	shalt  }
0x6c: {  	_ =	shalt  }
0x6d: {  	_ =	shalt  }
0x6e: {  	_ =	shalt  }
0x6f: {  	_ =	shalt  }
0x70: {  	_ =	shalt  }
0x71: {  	_ =	shalt  }
0x72: {  	_ =	shalt  }
0x73: {  	_ =	shalt  }
0x74: {  	_ =	shalt  }
0x75: {  	_ =	shalt  }
0x76: {  	_ =	shalt  }
0x77: {  	_ =	shalt  }
0x78: {  	_ =	shalt  }
0x79: {  	_ =	shalt  }
0x7a: {  	_ =	shalt  }
0x7b: {  	_ =	shalt  }
0x7c: {  	_ =	shalt  }
0x7d: {  	_ =	shalt  }
0x7e: {  	_ =	shalt  }
0x7f: {  	_ =	shalt  }
0x80: {  	_ =	shalt  }
0x81: {  	_ =	shalt  }
0x82: {  	_ =	shalt  }
0x83: {  	_ =	shalt  }
0x84: {  	_ =	shalt  }
0x85: {  	_ =	shalt  }
0x86: {  	_ =	shalt  }
0x87: {  	_ =	shalt  }
.Lfunc_end0:
.L_simem_size_0:
called_computation_lowered:
.L_overlay_start_0:
0x88: {  	s2 =	sld [smem:$0x3FD9]  }
0x89: {  	s3 =	sld [smem:$0x3FFE];
	_ =	sdelay $0x1  }
0x8a: {  	s1 =	srdreg.scid  }
0x8b: {  	s0 =	sand.u32 $0x1, s1  }
0x8c: {  	s17 =	sshll.u32 s0, $0xA;
	s2 =	sadd.s32 s3, s2  }
0x8d: {  	s2 =	sadd.s32 s2, s17  }
0x8e: {  	[smem:$0x3FC5] =	sst s2  }
0x8f: {  	_ = 	snop  }
0x90: {  	s2 =	sld [smem:$0x3FD0];
	(tm) =	ssettm $0x1  }
0x91: {  	s18 =	sld [smem:$0x3FFB];
	_ =	sdelay $0x3  }
0x92: {  	_ =	strace s18  }
0x93: {  	s3 =	sld [smem:$0x3FFC];
	_ =	sdelay $0x3  }
0x94: {  	_ =	strace s3  }
0x95: {  	s3 =	sld [smem:$0x3FFD];
	_ =	sdelay $0x3  }
0x96: {  	_ =	strace s3  }
0x97: {  	_ =	strace $0x8FFFFFFF  }
0x98: {  	s19 =	sld [smem:$0x3FDB];
	_ =	sdelay $0x1  }
0x99: {  	s4 =	simm.s32 $_scs_section_size  }
0x9a: {  	s5 =	simm.s32 $_size__tile_overlayer_lowered;
	s6 =	simm.s32 $_tile_overlayer_lowered  }
0x9b: {  	s22 =	simm.s32 $0x1BFF;
	s21 =	sshll.u32 s6, $0x1;
	s3 =	sadd.s32 s4, s19  }
0x9c: {  	s7 =	simm.s32 $0x0;
	s20 =	sshll.u32 s5, $0x1;
	s5 =	sadd.s32 s21, s3  }
0x9d: {  	[timem:s7], [sflag:s22] =	dma.local [hbm:s5], s20  }
0x9e: {  	_ =	swait.ge [sflag:s22], s20  }
0x9f: {  	s4 =	ssub.s32 $0x0, s20;
	[sflag:s22] =	ssyncset.done $0x0  }
0xa0: {  	[sflag:s22] =	ssyncadd.s32 s4;
	_ =	sdelay $0x1  }
0xa1: {  	s23 =	simm.s32 $0x1B8B  }
0xa2: {  	_ =	swait.ge [sflag:s23], $0x1  }
0xa3: {  	[sflag:s23] =	ssyncset.done $0x0  }
0xa4: {  	s25 =	simm.s32 $0x1B8E;
	s24 =	sld [smem:$0x3FFE];
	[sflag:s23] =	ssyncadd.s32 $0xFFFFFFFF  }
0xa5: {  	s26 =	simm.s32 $execute0_lowered;
	[smem:$0x3FD2] =	sst s25  }
0xa6: {  	s5 =	sshll.u32 s26, $0x1;
	_ =	strace $0x80000046;
	[dreg:$0x1] =	wrdreg $0xFFFFFFFF  }
0xa7: {  	s28 =	simm.s32 $_size_execute0_lowered;
	s3 =	sadd.s32 s3, s5;
	[dreg:$0x0] =	wrdreg $0x0  }
0xa8: {  	s5 =	sshll.u32 s28, $0x1;
	[dreg:$0x2] =	wrdreg s3  }
0xa9: {  	[dreg:$0x3] =	wrdreg s5  }
0xaa: {  	[dreg:$0x4] =	wrdreg $0xC0  }
0xab: {  	_ =	task [dreg:s7], $0x5FFFF  }
0xac: {  	[dreg:$0x1] =	wrdreg $0xFFFFFFFF  }
0xad: {  	[dreg:$0x0] =	wrdreg $0x60  }
0xae: {  	[dreg:$0x2] =	wrdreg s2  }
0xaf: {  	[dreg:$0x3] =	wrdreg s24  }
0xb0: {  	[dreg:$0x4] =	wrdreg $0x50000  }
0xb1: {  	[dreg:$0x5] =	wrdreg $0x9  }
0xb2: {  	_ =	task.clear_ibuf [dreg:s7], $0x6FFFF;
	_ =	strace $0x90000046  }
0xb3: {  	s29 =	simm.s32 $0x9;
	_ =	strace $0x80000048  }
0xb4: {  	_ =	swait.ge [sflag:s29], $0x1  }
0xb5: {  	[sflag:s29] =	ssyncadd.s32 $0xFFFFFFFF  }
0xb6: {  	_ =	strace $0x90000048  }
0xb7: {  	_ =	sfence  }
0xb8: {  	s30 =	sld [smem:$0x0];
	_ =	sdelay $0x2  }
0xb9: {  	s31 =	sshll.u32 s1, $0xD;
	s1 =	sshrl.u32 s1, $0x2  }
0xba: {  	s3 =	sand.u32 $0x4000, s31;
	s1 =	sadd.s32 s1, s30  }
0xbb: {  	s0 =	sor.u32 s3, s0;
	s1 =	sshll.u32 s1, $0x11  }
0xbc: {  	s0 =	sor.u32 s1, s0  }
0xbd: {  	s0 =	sadd.s32 $0x8F2B, s0  }
0xbe: {  	[sflag:s0] =	ssyncadd.remote.s32 $0x1  }
0xbf: {  	_ =	sfence.sel $0xFFFF  }
0xc0: {  	[dreg:$0x0] =	wrdreg $0xFFFFFFFF;
	(pc) =	sbr.abs _section_cstart, $3  }
0xc1: {  	[dreg:$0x1] =	wrdreg $0xFFFFFFFF  }
0xc2: {  	_ =	task.clear_ibuf [dreg:s7], $0x2FFFF;
	_ =	strace $0x9FFFFFFF  }
0xc3: {  	(tm) =	ssettm $0x7FFFFFFF  }
tec
execute0_lowered:
.L_overlay_start_1:
0x0: {  	(tag) =	ssettag $0x1  }
0x1: {  	s4 =	rddreg [dreg:$0x0]  }
0x2: {  	s5 =	rddreg [dreg:$0x1]  }
0x3: {  	s1 =	rddreg [dreg:$0x2]  }
0x4: {  	s2 =	srdreg.scid;
	s7 =	stileid.u32  }
0x5: {  	s0 =	rddreg [dreg:$0x3];
	s11 =	simm.s32 $0x4F80;
	s12 =	simm.s32 $0x0  }
0x6: {  	s3 =	sand.u32 $0x1, s2;
	s6 =	sshll.u32 s7, $0x1;
	s2 =	simm.s32 $0x0  }
0x7: {  	p0 =	sne.s32 s7, $0x0;
	s8 =	smul.u32 $0x500, s3;
	s6 =	sor.u32 s3, s6  }
0x8: {  	[smem:$0x7FF] =	sst s2;
	s9 =	ssub.s32 $0x2, s3;
	s3 =	sadd.s32 $0x1400, s5  }
0x9: {  	s7 =	sshrl.u32 @!p0 s1, $0x3;
	s6 =	smul.u32 $0x4E2, s6;
	s10 =	sshrl.u32 s9, $0x1  }
0xa: {  	v0 =	vlaneseq.u32;
	_ =	strace $0x80000047;
	s5 =	sadd.s32 s8, s5;
	s31 =	ssub.s32 s9, s10  }
0xb: {  	v5 =	vimm.f32 $1.000000000e+00;
	v1 =	vor.u32 $0x10, v0;
	s8 =	simm.s32 $0x2780;
	s9 =	simm.s32 $0x1;
	s10 =	simm.s32 $0x50  }
0xc: {  	v2 =	vor.u32 $0x20, v0;
	v3 =	vor.u32 $0x30, v0;
	v4 =	vor.u32 $0x40, v0;
	s4 =	sadd.s32 s4, s6;
	s5 =	sadd.s32 $0x1A00, s5;
	s6 =	smax.u32 s31, $0x1  }
.LBB2_1:
0xd: {  	s13 =	simm.s32 @!p0 $0x1C01  }
0xe: {  	[spmem:s7], [sflag:s13] =	dma.local @!p0 [hbm:s3], $0x500  }
0xf: {  	s13 =	simm.s32 @!p0 $0x1  }
0x10: {  	_ =	swait.ge @!p0 [sflag:s13], $0x500  }
0x11: {  	[sflag:s13] =	ssyncset.done @!p0 $0x0  }
0x12: {  	[sflag:s13] =	ssyncadd.s32 @!p0 $0xFFFFFB00  }
0x13: {  	[tilespmem:s8], [sflag:$0x1] =	stream.linear.gather [hbm4b:s3+s2], $0x2800, $0x38;
	[tilespmem:$0x5280] =	vst v63  }
0x14: {  	_ =	swait.ge [sflag:s9], $0x2800  }
0x15: {  	[sflag:s9] =	ssyncset.done $0x0  }
0x16: {  	[sflag:s9] =	ssyncadd.s32 $0xFFFFD800  }
0x17: {  	[tilespmem:$0x4F80] =	vst v0  }
0x18: {  	[tilespmem:$0x4F90] =	vst v1  }
0x19: {  	[tilespmem:$0x4FA0] =	vst v2  }
0x1a: {  	[tilespmem:$0x4FB0] =	vst v3  }
0x1b: {  	[tilespmem:$0x4FC0] =	vst v4  }
0x1c: {  	[bflag:$0x0] =	sbarrier.arrive $0xFFFF  }
0x1d: {  	[tilespmem:s2], [sflag:$0x1] =	stream.linear.gather [hbm4b:s4+s2], $0x2710, $0x38;
	[tilespmem:$0x5280] =	vst v63  }
0x1e: {  	_ =	swait.ge [sflag:s9], $0x2710  }
0x1f: {  	[sflag:s9] =	ssyncset.done $0x0  }
0x20: {  	s13 =	simm.s32 $0x0;
	[sflag:s9] =	ssyncadd.s32 $0xFFFFD8F0  }
.LBB2_2:
0x21: {  	s14 =	sshra.s32 s13, $0x2  }
0x22: {  	v6 =	vld [tilespmem:s14+$0x0];
	_ =	sdelay $0x7  }
0x23: {  	[tilespmem:v6+s8+$0x0] =	vst.idx.add.f32.msk $0xffff, v5  }
0x24: {  	v6 =	vld [tilespmem:s14+$0x10];
	_ =	sdelay $0x7  }
0x25: {  	[tilespmem:v6+s8+$0x0] =	vst.idx.add.f32.msk $0xffff, v5  }
0x26: {  	v6 =	vld [tilespmem:s14+$0x20];
	_ =	sdelay $0x7  }
0x27: {  	[tilespmem:v6+s8+$0x0] =	vst.idx.add.f32.msk $0xffff, v5  }
0x28: {  	v6 =	vld [tilespmem:s14+$0x30];
	_ =	sdelay $0x7  }
0x29: {  	[tilespmem:v6+s8+$0x0] =	vst.idx.add.f32.msk $0xffff, v5  }
0x2a: {  	v6 =	vld [tilespmem:s14+$0x40];
	_ =	sdelay $0x2  }
0x2b: {  	p1 =	sne.s32 s13, $0x9B00  }
.Ltmp0:
0x2c: {  	_ = 	snop;
	(pc) =	sbr.rel @p1 .LBB2_2-.Ltmp0, $2  }
0x2d: {  	_ =	sdelay $0x2  }
0x2e: {  	s13 =	sadd.s32 $0x140, s13;
	[tilespmem:v6+s8+$0x0] =	vst.idx.add.f32.msk $0xffff, v5  }
0x2f: {  	[spmem:s1] =	stream.indirect.scatter.add.f32 [tilespmem:s8], [sflag:$0x1], $0x80, s11, s10, $0xb8;
	[tilespmem:$0x5280] =	vst v63  }
0x30: {  	_ =	swait.ge [sflag:s9], $0x2800  }
0x31: {  	[sflag:s9] =	ssyncset.done $0x0  }
0x32: {  	s12 =	sadd.s32 $0x1, s12;
	[sflag:s9] =	ssyncadd.s32 $0xFFFFD800  }
0x33: {  	s13 =	simm.s32 @!p0 $0x1C01;
	p1 =	sne.s32 s12, s6;
	[bflag:$0x0] =	sbarrier.arrive $0xFFFF  }
0x34: {  	[hbm:s5], [sflag:s13] =	dma.local @!p0 [spmem:s7], $0x500  }
.Ltmp1:
0x35: {  	_ = 	snop;
	(pc) =	sbr.rel @p1 .LBB2_1-.Ltmp1, $4  }
0x36: {  	s13 =	simm.s32 @!p0 $0x1  }
0x37: {  	_ =	swait.ge @!p0 [sflag:s13], $0x500  }
0x38: {  	[sflag:s13] =	ssyncset.done @!p0 $0x0  }
0x39: {  	[sflag:s13] =	ssyncadd.s32 @!p0 $0xFFFFFB00  }
0x3a: {  	_ =	sfence.sel $0x180000  }
0x3b: {  	[bflag:$0x0] =	sbarrier.arrive $0xFFFF  }
0x3c: {  	_ =	strace $0x90000047  }
0x3d: {  	s0 =	sadd.s32 @!p0 $0x100000, s0;
	[bflag:$0x2] =	sbarrier.arrive $0xFFFF  }
0x3e: {  	[sflag:s0] =	ssyncadd.tile.s32 @!p0 $0x1;
	_ =	shalt  }
.Lfunc_end2:
_tile_overlayer_lowered:
.L_overlay_start_2:
0x3f: {  	(tag) =	ssettag $0x2  }
0x40: {  	s0 =	rddreg [dreg:$0x0];
	s2 =	stileid.u32  }
0x41: {  	s1 =	rddreg [dreg:$0x1];
	p0 =	sne.s32 s2, $0x0  }
0x42: {  	s3 =	rddreg [dreg:$0x2];
	[bflag:$0x3] =	sbarrier.arrive $0xFFFF;
	s2 =	simm.s32 @!p0 $0x1C01  }
0x43: {  	[timem:s3], [sflag:s2] =	dma.local @!p0 [hbm:s0], s1  }
0x44: {  	s0 =	simm.s32 @!p0 $0x1  }
0x45: {  	_ =	swait.ge @!p0 [sflag:s0], s1  }
0x46: {  	s1 =	ssub.s32 @!p0 $0x0, s1;
	[sflag:s0] =	ssyncset.done @!p0 $0x0  }
0x47: {  	[sflag:s0] =	ssyncadd.s32 @!p0 s1  }
0x48: {  	[bflag:$0x3] =	sbarrier.arrive $0xFFFF  }
0x49: {  	_ =	shalt  }

// kernel: kernel.9.cloned.1.call-start
scs
__scs_entry_jumppad:
0x0: {  	(pc) =	sbr.rel $0x88, $3  }
0x1: {  	(tag) =	ssettag $0x0;
	lr =	simm.s32 $0x1  }
0x2: {  	[smem:$0x3F9E] =	sst lr;
	_ =	strace $0xD0000000  }
0x3: {  	_ = 	snop  }
0x4: {  	_ = 	snop  }
0x5: {  	_ = 	snop  }
0x6: {  	_ = 	snop  }
0x7: {  	_ = 	snop  }
__scs_overlays_trampoline_lowered:
0x8: {  	[smem:$0x3FAD] =	sst s0  }
0x9: {  	[smem:$0x3FAE] =	sst s1  }
0xa: {  	[smem:$0x3FAF] =	sst s2  }
0xb: {  	[smem:$0x3FB0] =	sst s3  }
0xc: {  	[smem:$0x3FB1] =	sst s4  }
0xd: {  	[smem:$0x3FB2] =	sst s5  }
0xe: {  	[smem:$0x3FB3] =	sst s6  }
0xf: {  	[smem:$0x3FB4] =	sst s7  }
0x10: {  	[smem:$0x3FB5] =	sst s8  }
0x11: {  	[smem:$0x3FB6] =	sst s9;
	s0 =	simm.s32 @!p0 $0x0  }
0x12: {  	s1 =	sld [smem:$0x3F9C];
	s0 =	simm.s32 @p0 $0x1  }
0x13: {  	[smem:$0x3FB7] =	sst s0;
	s0 =	simm.s32 @!p1 $0x0  }
0x14: {  	s2 =	sld [smem:$0x3F9B];
	s0 =	simm.s32 @p1 $0x1  }
0x15: {  	[smem:$0x3FB8] =	sst s0;
	s0 =	simm.s32 @!p2 $0x0  }
0x16: {  	s3 =	sld [smem:$0x3FDB];
	s0 =	simm.s32 @p2 $0x1  }
0x17: {  	s4 =	simm.s32 $0x1BF5;
	[smem:$0x3FBA] =	sst s0  }
0x18: {  	s0 =	sld [smem:$0x3F9D];
	_ =	swait.ge [sflag:s4], $0x0  }
0x19: {  	s7 =	sld [smem:$0x3F9E]  }
0x1a: {  	s8 =	sadd.s32 $0xFFFFE003, lr  }
0x1b: {  	s9 =	sadd.s32 $0xFFFFFEF7, lr;
	s5 =	simm.s32 $0xFFFFFFFF;
	p2 =	slt.u32 s8, $0xFFFFF086  }
0x1c: {  	p1 =	slt.u32 s9, $0xF7A;
	s5 =	simm.s32 @!p2 $0x0  }
0x1d: {  	s5 =	simm.s32 @p1 $0x1;
	p0 =	seq.s32 s7, s2  }
0x1e: {  	s7 =	smul.u32 @!p0 $0xF7A, s2;
	p2 =	seq.s32 @!p0 s5, $0x0  }
0x1f: {  	s9 =	smul.u32 $0xF7A, s1;
	s8 =	simm.s32 @!p0 $0x1BF5;
	p2 =	por !p2, p0  }
0x20: {  	[sflag:s8] =	ssyncset.s32 @!p0 $0xFFFFF086;
	s6 =	sadd.s32 @!p0 s3, s7;
	s7 =	simm.s32 @!p0 $0x108  }
0x21: {  	s3 =	sadd.s32 s3, s9;
	s6 =	sadd.s32 @!p0 $0x88, s6;
	s7 =	simm.s32 @p2 $0x1082  }
0x22: {  	[simem:s7], [sflag:s8] =	dma.local @!p0 [hbm:s6], $0xF7A  }
0x23: {  	s9 =	sor.u32 $0xD0000000, s2;
	s6 =	simm.s32 $0x108;
	_ =	swait.ge @!p0 [sflag:s8], $0x0  }
0x24: {  	s3 =	sadd.s32 $0x88, s3;
	s6 =	simm.s32 @!p1 $0x1082;
	[sflag:s4] =	ssyncset.s32 $0xFFFFF086  }
0x25: {  	[simem:s6], [sflag:s4] =	dma.local [hbm:s3], $0xF7A  }
0x26: {  	[smem:$0x3F9E] =	sst s1;
	(tag) =	ssettag s2;
	_ =	strace s9  }
0x27: {  	s1 =	sld [smem:$0x3FAE]  }
0x28: {  	s2 =	sld [smem:$0x3FAF]  }
0x29: {  	s4 =	sld [smem:$0x3FB1]  }
0x2a: {  	p0 =	seq.s32 s5, $0x0;
	s5 =	sld [smem:$0x3FB2]  }
0x2b: {  	s6 =	sld [smem:$0x3FB3]  }
0x2c: {  	s7 =	sld [smem:$0x3FB4]  }
0x2d: {  	s3 =	simm.s32 $0x108;
	s8 =	sld [smem:$0x3FB5]  }
0x2e: {  	s3 =	simm.s32 @!p0 $0x1082;
	s9 =	sld [smem:$0x3FB6]  }
0x2f: {  	lr =	sadd.s32 s0, s3;
	s0 =	sld [smem:$0x3FAD]  }
0x30: {  	s3 =	sld [smem:$0x3FB0]  }
0x31: {  	[smem:$0x3FB9] =	sst s10  }
0x32: {  	s10 =	sld [smem:$0x3FB7];
	_ =	sdelay $0x3  }
0x33: {  	p0 =	seq.s32 s10, $0x1;
	s10 =	sld [smem:$0x3FB9];
	_ =	sdelay $0x3  }
0x34: {  	[smem:$0x3FB9] =	sst s10  }
0x35: {  	s10 =	sld [smem:$0x3FB8];
	_ =	sdelay $0x3  }
0x36: {  	p1 =	seq.s32 s10, $0x1;
	s10 =	sld [smem:$0x3FB9];
	_ =	sdelay $0x3  }
0x37: {  	[smem:$0x3FB9] =	sst s10  }
0x38: {  	s10 =	sld [smem:$0x3FBA]  }
0x39: {  	_ = 	snop;
	(pc) =	sbr.ind lr, $3  }
0x3a: {  	_ = 	snop  }
0x3b: {  	_ = 	snop  }
0x3c: {  	p2 =	seq.s32 s10, $0x1;
	s10 =	sld [smem:$0x3FB9]  }
0x3d: {  	_ =	shalt  }
0x3e: {  	_ =	shalt  }
0x3f: {  	_ =	shalt  }
0x40: {  	_ =	shalt  }
0x41: {  	_ =	shalt  }
0x42: {  	_ =	shalt  }
0x43: {  	_ =	shalt  }
0x44: {  	_ =	shalt  }
0x45: {  	_ =	shalt  }
0x46: {  	_ =	shalt  }
0x47: {  	_ =	shalt  }
0x48: {  	_ =	shalt  }
0x49: {  	_ =	shalt  }
0x4a: {  	_ =	shalt  }
0x4b: {  	_ =	shalt  }
0x4c: {  	_ =	shalt  }
0x4d: {  	_ =	shalt  }
0x4e: {  	_ =	shalt  }
0x4f: {  	_ =	shalt  }
0x50: {  	_ =	shalt  }
0x51: {  	_ =	shalt  }
0x52: {  	_ =	shalt  }
0x53: {  	_ =	shalt  }
0x54: {  	_ =	shalt  }
0x55: {  	_ =	shalt  }
0x56: {  	_ =	shalt  }
0x57: {  	_ =	shalt  }
0x58: {  	_ =	shalt  }
0x59: {  	_ =	shalt  }
0x5a: {  	_ =	shalt  }
0x5b: {  	_ =	shalt  }
0x5c: {  	_ =	shalt  }
0x5d: {  	_ =	shalt  }
0x5e: {  	_ =	shalt  }
0x5f: {  	_ =	shalt  }
0x60: {  	_ =	shalt  }
0x61: {  	_ =	shalt  }
0x62: {  	_ =	shalt  }
0x63: {  	_ =	shalt  }
0x64: {  	_ =	shalt  }
0x65: {  	_ =	shalt  }
0x66: {  	_ =	shalt  }
0x67: {  	_ =	shalt  }
0x68: {  	_ =	shalt  }
0x69: {  	_ =	shalt  }
0x6a: {  	_ =	shalt  }
0x6b: {  	_ =	shalt  }
0x6c: {  	_ =	shalt  }
0x6d: {  	_ =	shalt  }
0x6e: {  	_ =	shalt  }
0x6f: {  	_ =	shalt  }
0x70: {  	_ =	shalt  }
0x71: {  	_ =	shalt  }
0x72: {  	_ =	shalt  }
0x73: {  	_ =	shalt  }
0x74: {  	_ =	shalt  }
0x75: {  	_ =	shalt  }
0x76: {  	_ =	shalt  }
0x77: {  	_ =	shalt  }
0x78: {  	_ =	shalt  }
0x79: {  	_ =	shalt  }
0x7a: {  	_ =	shalt  }
0x7b: {  	_ =	shalt  }
0x7c: {  	_ =	shalt  }
0x7d: {  	_ =	shalt  }
0x7e: {  	_ =	shalt  }
0x7f: {  	_ =	shalt  }
0x80: {  	_ =	shalt  }
0x81: {  	_ =	shalt  }
0x82: {  	_ =	shalt  }
0x83: {  	_ =	shalt  }
0x84: {  	_ =	shalt  }
0x85: {  	_ =	shalt  }
0x86: {  	_ =	shalt  }
0x87: {  	_ =	shalt  }
.Lfunc_end0:
.L_simem_size_0:
called_computation.1_lowered:
.L_overlay_start_0:
0x88: {  	s2 =	sld [smem:$0x3FD9]  }
0x89: {  	s3 =	sld [smem:$0x3FFE];
	_ =	sdelay $0x1  }
0x8a: {  	s1 =	srdreg.scid  }
0x8b: {  	s0 =	sand.u32 $0x1, s1  }
0x8c: {  	s17 =	sshll.u32 s0, $0xA;
	s2 =	sadd.s32 s3, s2  }
0x8d: {  	s2 =	sadd.s32 s2, s17  }
0x8e: {  	[smem:$0x3FC5] =	sst s2  }
0x8f: {  	_ = 	snop  }
0x90: {  	s2 =	sld [smem:$0x3FD0];
	(tm) =	ssettm $0x1  }
0x91: {  	s18 =	sld [smem:$0x3FFB];
	_ =	sdelay $0x3  }
0x92: {  	_ =	strace s18  }
0x93: {  	s3 =	sld [smem:$0x3FFC];
	_ =	sdelay $0x3  }
0x94: {  	_ =	strace s3  }
0x95: {  	s3 =	sld [smem:$0x3FFD];
	_ =	sdelay $0x3  }
0x96: {  	_ =	strace s3  }
0x97: {  	_ =	strace $0x8FFFFFFF  }
0x98: {  	s19 =	sld [smem:$0x3FDB];
	_ =	sdelay $0x1  }
0x99: {  	s4 =	simm.s32 $_scs_section_size  }
0x9a: {  	s5 =	simm.s32 $_size__tile_overlayer_lowered;
	s6 =	simm.s32 $_tile_overlayer_lowered  }
0x9b: {  	s22 =	simm.s32 $0x1BFF;
	s21 =	sshll.u32 s6, $0x1;
	s3 =	sadd.s32 s4, s19  }
0x9c: {  	s7 =	simm.s32 $0x0;
	s20 =	sshll.u32 s5, $0x1;
	s5 =	sadd.s32 s21, s3  }
0x9d: {  	[timem:s7], [sflag:s22] =	dma.local [hbm:s5], s20  }
0x9e: {  	_ =	swait.ge [sflag:s22], s20  }
0x9f: {  	s4 =	ssub.s32 $0x0, s20;
	[sflag:s22] =	ssyncset.done $0x0  }
0xa0: {  	[sflag:s22] =	ssyncadd.s32 s4;
	_ =	sdelay $0x1  }
0xa1: {  	s23 =	simm.s32 $0x1B8B  }
0xa2: {  	_ =	swait.ge [sflag:s23], $0x1  }
0xa3: {  	[sflag:s23] =	ssyncset.done $0x0  }
0xa4: {  	s25 =	simm.s32 $0x1B8E;
	s24 =	sld [smem:$0x3FFE];
	[sflag:s23] =	ssyncadd.s32 $0xFFFFFFFF  }
0xa5: {  	s26 =	simm.s32 $execute0_lowered;
	[smem:$0x3FD2] =	sst s25  }
0xa6: {  	s5 =	sshll.u32 s26, $0x1;
	_ =	strace $0x80000049;
	[dreg:$0x1] =	wrdreg $0xFFFFFFFF  }
0xa7: {  	s28 =	simm.s32 $_size_execute0_lowered;
	s3 =	sadd.s32 s3, s5;
	[dreg:$0x0] =	wrdreg $0x0  }
0xa8: {  	s5 =	sshll.u32 s28, $0x1;
	[dreg:$0x2] =	wrdreg s3  }
0xa9: {  	[dreg:$0x3] =	wrdreg s5  }
0xaa: {  	[dreg:$0x4] =	wrdreg $0xC0  }
0xab: {  	_ =	task [dreg:s7], $0x5FFFF  }
0xac: {  	[dreg:$0x1] =	wrdreg $0xFFFFFFFF  }
0xad: {  	[dreg:$0x0] =	wrdreg $0x60  }
0xae: {  	[dreg:$0x2] =	wrdreg s2  }
0xaf: {  	[dreg:$0x3] =	wrdreg s24  }
0xb0: {  	[dreg:$0x4] =	wrdreg $0xA9000  }
0xb1: {  	[dreg:$0x5] =	wrdreg $0x9  }
0xb2: {  	_ =	task.clear_ibuf [dreg:s7], $0x6FFFF;
	_ =	strace $0x90000049  }
0xb3: {  	s29 =	simm.s32 $0x9;
	_ =	strace $0x8000004B  }
0xb4: {  	_ =	swait.ge [sflag:s29], $0x1  }
0xb5: {  	[sflag:s29] =	ssyncadd.s32 $0xFFFFFFFF  }
0xb6: {  	_ =	strace $0x9000004B  }
0xb7: {  	_ =	sfence  }
0xb8: {  	s30 =	sld [smem:$0x0];
	_ =	sdelay $0x2  }
0xb9: {  	s31 =	sshll.u32 s1, $0xD;
	s1 =	sshrl.u32 s1, $0x2  }
0xba: {  	s3 =	sand.u32 $0x4000, s31;
	s1 =	sadd.s32 s1, s30  }
0xbb: {  	s0 =	sor.u32 s3, s0;
	s1 =	sshll.u32 s1, $0x11  }
0xbc: {  	s0 =	sor.u32 s1, s0  }
0xbd: {  	s0 =	sadd.s32 $0x8F2B, s0  }
0xbe: {  	[sflag:s0] =	ssyncadd.remote.s32 $0x1  }
0xbf: {  	_ =	sfence.sel $0xFFFF  }
0xc0: {  	[dreg:$0x0] =	wrdreg $0xFFFFFFFF;
	(pc) =	sbr.abs _section_cstart, $3  }
0xc1: {  	[dreg:$0x1] =	wrdreg $0xFFFFFFFF  }
0xc2: {  	_ =	task.clear_ibuf [dreg:s7], $0x2FFFF;
	_ =	strace $0x9FFFFFFF  }
0xc3: {  	(tm) =	ssettm $0x7FFFFFFF  }
tec
execute0_lowered:
.L_overlay_start_1:
0x0: {  	(tag) =	ssettag $0x1  }
0x1: {  	s1 =	rddreg [dreg:$0x0]  }
0x2: {  	s0 =	srdreg.scid;
	s6 =	rddreg [dreg:$0x1]  }
0x3: {  	s14 =	stileid.u32;
	s3 =	rddreg [dreg:$0x2]  }
0x4: {  	s4 =	simm.s32 $0x0;
	s17 =	simm.s32 $0x5;
	s18 =	simm.s32 $0x2800  }
0x5: {  	s19 =	simm.s32 $0x80;
	s20 =	simm.s32 $0x2900;
	s21 =	simm.s32 $0x2880  }
0x6: {  	s22 =	simm.s32 $0x6900;
	s23 =	simm.s32 $0x1;
	s24 =	simm.s32 $0x3  }
0x7: {  	s29 =	simm.s32 $0x2780;
	s30 =	simm.s32 $0x0;
	s0 =	sand.u32 $0x1, s0  }
0x8: {  	s2 =	sshll.u32 s14, $0x1;
	[smem:$0x7FF] =	sst s4;
	s7 =	smul.u32 $0x13C00, s14  }
0x9: {  	s12 =	sadd.s32 $0xC400, s6;
	s25 =	sadd.s32 $0x16400, s6;
	s9 =	smul.u32 $0x4F000, s14  }
0xa: {  	s11 =	smul.u32 $0xA0, s14;
	s31 =	sshll.u32 s14, $0x6;
	s2 =	sor.u32 s0, s2  }
0xb: {  	s5 =	smul.u32 $0x13C000, s0;
	_ =	strace $0x8000004A;
	[dreg:$0x4] =	wrdreg s25  }
0xc: {  	s26 =	ssub.s32 $0x2, s0;
	s0 =	smul.u32 $0x50, s0;
	s25 =	simm.s32 $0x2  }
0xd: {  	s2 =	smul.u32 $0x500, s2;
	s28 =	sshrl.u32 s26, $0x1;
	s9 =	sshrl.u32 s9, $0x2  }
0xe: {  	s7 =	sadd.s32 s7, s5;
	s13 =	ssub.s32 s26, s28;
	s16 =	sadd.s32 s9, s3  }
0xf: {  	s0 =	sadd.s32 s0, s11;
	s26 =	simm.s32 $0x4;
	s8 =	sadd.s32 s2, s6  }
0x10: {  	s7 =	sshrl.u32 s7, $0x3;
	s0 =	sshll.u32 s0, $0x4;
	s11 =	smax.u32 s13, $0x1  }
0x11: {  	s16 =	sshrl.u32 s16, $0x3;
	s10 =	sadd.s32 s7, s6;
	s6 =	sor.u32 $0x1C05, s31  }
0x12: {  	s7 =	sadd.s32 s12, s2;
	s8 =	sadd.s32 $0x2400, s8;
	s0 =	sadd.s32 s0, s12  }
0x13: {  	s9 =	sadd.s32 $0x10, s7;
	s10 =	sadd.s32 $0x18C00, s10;
	s12 =	sadd.s32 $0x4F0, s7  }
0x14: {  	s13 =	sadd.s32 $0x4E0, s7;
	s14 =	sadd.s32 $0x30, s0;
	s15 =	sadd.s32 $0x20, s0  }
.LBB2_1:
0x15: {  	s0 =	rddreg [dreg:$0x4]  }
0x16: {  	[spmem:s16], [sflag:s6] =	dma.local [hbm:s0], $0x2780  }
0x17: {  	_ =	swait.ge [sflag:s17], $0x2780  }
0x18: {  	[sflag:s17] =	ssyncset.done $0x0  }
0x19: {  	[sflag:s17] =	ssyncadd.s32 $0xFFFFD880  }
0x1a: {  	[tilespmem:s4], [sflag:$0x5] =	stream.linear.gather [hbm4b:s8+s4], $0x2800, $0x38;
	[tilespmem:$0x1E500] =	vst v63  }
0x1b: {  	_ =	swait.ge [sflag:s17], $0x2800  }
0x1c: {  	[sflag:s17] =	ssyncset.done $0x0  }
0x1d: {  	[sflag:s17] =	ssyncadd.s32 $0xFFFFD800  }
0x1e: {  	[bflag:$0x0] =	sbarrier.arrive $0xFFFF  }
0x1f: {  	[tilespmem:s18], [sflag:$0x3] =	stream.linear.gather [hbm4b:s7+s4], $0x80, $0x38;
	[tilespmem:$0x1E500] =	vst v63  }
0x20: {  	_ = 	snop  }
0x21: {  	[tilespmem:s20], [sflag:$0x1] =	stream.indirect.gather [hbm4b:s1+s19], $0x80, s4, s19, $0xb8;
	[tilespmem:$0x1E500] =	vst v63  }
0x22: {  	_ = 	snop  }
0x23: {  	[tilespmem:s21], [sflag:$0x4] =	stream.linear.gather [hbm4b:s9+s4], $0x80, $0x38;
	[tilespmem:$0x1E500] =	vst v63  }
0x24: {  	_ = 	snop  }
0x25: {  	[tilespmem:s22], [sflag:$0x2] =	stream.indirect.gather [hbm4b:s1+s19], $0x80, s19, s19, $0xb8;
	[tilespmem:$0x1E500] =	vst v63  }
0x26: {  	_ =	swait.ge [sflag:s23], $0x4000  }
0x27: {  	[sflag:s23] =	ssyncset.done $0x0  }
0x28: {  	[sflag:s23] =	ssyncadd.s32 $0xFFFFC000  }
0x29: {  	_ =	swait.ge [sflag:s24], $0x80  }
0x2a: {  	[sflag:s24] =	ssyncset.done $0x0  }
0x2b: {  	[sflag:s24] =	ssyncadd.s32 $0xFFFFFF80  }
0x2c: {  	[spmem:s3] =	stream.indirect.scatter.add.f32 [tilespmem:s20], [sflag:$0x5], $0x80, s18, s19, $0xb8;
	[tilespmem:$0x1E500] =	vst v63  }
0x2d: {  	_ =	swait.ge [sflag:s17], $0x4000  }
0x2e: {  	[sflag:s17] =	ssyncset.done $0x0  }
0x2f: {  	s2 =	sadd.s32 $0x0, s15;
	[sflag:s17] =	ssyncadd.s32 $0xFFFFC000  }
0x30: {  	[tilespmem:s18], [sflag:$0x3] =	stream.linear.gather [hbm4b:s2+s4], $0x80, $0x38;
	[tilespmem:$0x1E500] =	vst v63  }
0x31: {  	s5 =	simm.s32 $0x100  }
0x32: {  	[tilespmem:s20], [sflag:$0x1] =	stream.indirect.gather [hbm4b:s1+s19], $0x80, s5, s19, $0xb8;
	[tilespmem:$0x1E500] =	vst v63  }
0x33: {  	_ =	swait.ge [sflag:s25], $0x4000  }
0x34: {  	[sflag:s25] =	ssyncset.done $0x0  }
0x35: {  	[sflag:s25] =	ssyncadd.s32 $0xFFFFC000  }
0x36: {  	_ =	swait.ge [sflag:s26], $0x80  }
0x37: {  	[sflag:s26] =	ssyncset.done $0x0  }
0x38: {  	[sflag:s26] =	ssyncadd.s32 $0xFFFFFF80  }
0x39: {  	[spmem:s3] =	stream.indirect.scatter.add.f32 [tilespmem:s22], [sflag:$0x5], $0x80, s21, s19, $0xb8;
	[tilespmem:$0x1E500] =	vst v63  }
0x3a: {  	_ =	swait.ge [sflag:s17], $0x4000  }
0x3b: {  	s28 =	sadd.s32 $0x0, s14;
	s31 =	simm.s32 $0x180;
	[sflag:s17] =	ssyncset.done $0x0  }
0x3c: {  	s0 =	simm.s32 $0x280;
	s2 =	simm.s32 $0x20;
	[sflag:s17] =	ssyncadd.s32 $0xFFFFC000  }
0x3d: {  	[tilespmem:s21], [sflag:$0x4] =	stream.linear.gather [hbm4b:s28+s4], $0x80, $0x38;
	[tilespmem:$0x1E500] =	vst v63  }
.LBB2_2:
0x3e: {  	[tilespmem:s22], [sflag:$0x2] =	stream.indirect.gather [hbm4b:s1+s19], $0x80, s31, s19, $0xb8;
	[tilespmem:$0x1E500] =	vst v63  }
0x3f: {  	s28 =	smov.u32 s2;
	s31 =	smov.u32 s0  }
0x40: {  	p0 =	sne.s32 s2, $0x4A0;
	s2 =	sadd.s32 $0x20, s2;
	_ =	swait.ge [sflag:s23], $0x4000  }
0x41: {  	[sflag:s23] =	ssyncset.done $0x0  }
0x42: {  	[sflag:s23] =	ssyncadd.s32 $0xFFFFC000  }
0x43: {  	_ =	swait.ge [sflag:s24], $0x80  }
0x44: {  	[sflag:s24] =	ssyncset.done $0x0  }
0x45: {  	[sflag:s24] =	ssyncadd.s32 $0xFFFFFF80  }
0x46: {  	[spmem:s3] =	stream.indirect.scatter.add.f32 [tilespmem:s20], [sflag:$0x5], $0x80, s18, s19, $0xb8;
	[tilespmem:$0x1E500] =	vst v63  }
0x47: {  	_ =	swait.ge [sflag:s17], $0x4000  }
0x48: {  	[sflag:s17] =	ssyncset.done $0x0  }
0x49: {  	s5 =	sadd.s32 s28, s15;
	[sflag:s17] =	ssyncadd.s32 $0xFFFFC000  }
0x4a: {  	[tilespmem:s18], [sflag:$0x3] =	stream.linear.gather [hbm4b:s5+s4], $0x80, $0x38;
	[tilespmem:$0x1E500] =	vst v63  }
0x4b: {  	s5 =	sadd.s32 $0xFFFFFF80, s0  }
0x4c: {  	[tilespmem:s20], [sflag:$0x1] =	stream.indirect.gather [hbm4b:s1+s19], $0x80, s5, s19, $0xb8;
	[tilespmem:$0x1E500] =	vst v63  }
0x4d: {  	_ =	swait.ge [sflag:s25], $0x4000  }
0x4e: {  	[sflag:s25] =	ssyncset.done $0x0  }
0x4f: {  	[sflag:s25] =	ssyncadd.s32 $0xFFFFC000  }
0x50: {  	_ =	swait.ge [sflag:s26], $0x80  }
0x51: {  	[sflag:s26] =	ssyncset.done $0x0  }
0x52: {  	[sflag:s26] =	ssyncadd.s32 $0xFFFFFF80  }
0x53: {  	[spmem:s3] =	stream.indirect.scatter.add.f32 [tilespmem:s22], [sflag:$0x5], $0x80, s21, s19, $0xb8;
	[tilespmem:$0x1E500] =	vst v63  }
.Ltmp0:
0x54: {  	_ =	swait.ge [sflag:s17], $0x4000;
	(pc) =	sbr.rel @p0 .LBB2_2-.Ltmp0, $4  }
0x55: {  	[sflag:s17] =	ssyncset.done $0x0  }
0x56: {  	s5 =	sadd.s32 s28, s14;
	[sflag:s17] =	ssyncadd.s32 $0xFFFFC000  }
0x57: {  	[tilespmem:s21], [sflag:$0x4] =	stream.linear.gather [hbm4b:s5+s4], $0x80, $0x38;
	[tilespmem:$0x1E500] =	vst v63  }
0x58: {  	s0 =	sadd.s32 $0x100, s0  }
0x59: {  	[tilespmem:s22], [sflag:$0x2] =	stream.indirect.gather [hbm4b:s1+s19], $0x80, s31, s19, $0xb8;
	[tilespmem:$0x1E500] =	vst v63  }
0x5a: {  	_ =	swait.ge [sflag:s23], $0x4000  }
0x5b: {  	[sflag:s23] =	ssyncset.done $0x0  }
0x5c: {  	[sflag:s23] =	ssyncadd.s32 $0xFFFFC000  }
0x5d: {  	_ =	swait.ge [sflag:s24], $0x80  }
0x5e: {  	[sflag:s24] =	ssyncset.done $0x0  }
0x5f: {  	[sflag:s24] =	ssyncadd.s32 $0xFFFFFF80  }
0x60: {  	[spmem:s3] =	stream.indirect.scatter.add.f32 [tilespmem:s20], [sflag:$0x5], $0x80, s18, s19, $0xb8;
	[tilespmem:$0x1E500] =	vst v63  }
0x61: {  	_ =	swait.ge [sflag:s17], $0x4000  }
0x62: {  	[sflag:s17] =	ssyncset.done $0x0  }
0x63: {  	[sflag:s17] =	ssyncadd.s32 $0xFFFFC000  }
0x64: {  	[tilespmem:s18], [sflag:$0x3] =	stream.linear.gather [hbm4b:s13+s4], $0x80, $0x38;
	[tilespmem:$0x1E500] =	vst v63  }
0x65: {  	s0 =	simm.s32 $0x2700  }
0x66: {  	[tilespmem:s20], [sflag:$0x1] =	stream.indirect.gather [hbm4b:s1+s19], $0x80, s0, s19, $0xb8;
	[tilespmem:$0x1E500] =	vst v63  }
0x67: {  	_ =	swait.ge [sflag:s25], $0x4000  }
0x68: {  	[sflag:s25] =	ssyncset.done $0x0  }
0x69: {  	[sflag:s25] =	ssyncadd.s32 $0xFFFFC000  }
0x6a: {  	_ =	swait.ge [sflag:s26], $0x80  }
0x6b: {  	[sflag:s26] =	ssyncset.done $0x0  }
0x6c: {  	[sflag:s26] =	ssyncadd.s32 $0xFFFFFF80  }
0x6d: {  	[spmem:s3] =	stream.indirect.scatter.add.f32 [tilespmem:s22], [sflag:$0x5], $0x80, s21, s19, $0xb8;
	[tilespmem:$0x1E500] =	vst v63  }
0x6e: {  	_ =	swait.ge [sflag:s17], $0x4000  }
0x6f: {  	[sflag:s17] =	ssyncset.done $0x0  }
0x70: {  	[sflag:s17] =	ssyncadd.s32 $0xFFFFC000  }
0x71: {  	[tilespmem:s21], [sflag:$0x4] =	stream.linear.gather [hbm4b:s12+s4], $0x80, $0x38;
	[tilespmem:$0x1E500] =	vst v63  }
0x72: {  	_ = 	snop  }
0x73: {  	[tilespmem:s22], [sflag:$0x2] =	stream.indirect.gather [hbm4b:s1+s19], $0x80, s29, s19, $0xb8;
	[tilespmem:$0x1E500] =	vst v63  }
0x74: {  	_ =	swait.ge [sflag:s23], $0x4000  }
0x75: {  	[sflag:s23] =	ssyncset.done $0x0  }
0x76: {  	[sflag:s23] =	ssyncadd.s32 $0xFFFFC000  }
0x77: {  	_ =	swait.ge [sflag:s24], $0x80  }
0x78: {  	[sflag:s24] =	ssyncset.done $0x0  }
0x79: {  	[sflag:s24] =	ssyncadd.s32 $0xFFFFFF80  }
0x7a: {  	[spmem:s3] =	stream.indirect.scatter.add.f32 [tilespmem:s20], [sflag:$0x5], $0x80, s18, s19, $0xb8;
	[tilespmem:$0x1E500] =	vst v63  }
0x7b: {  	_ =	swait.ge [sflag:s17], $0x4000  }
0x7c: {  	[sflag:s17] =	ssyncset.done $0x0  }
0x7d: {  	[sflag:s17] =	ssyncadd.s32 $0xFFFFC000  }
0x7e: {  	[tilespmem:s18], [sflag:$0x3] =	stream.linear.gather [hbm4b:s12+s4], $0x80, $0x38;
	[tilespmem:$0x1E500] =	vst v63  }
0x7f: {  	_ = 	snop  }
0x80: {  	[tilespmem:s20], [sflag:$0x1] =	stream.indirect.gather [hbm4b:s1+s19], $0x80, s29, s19, $0xb8;
	[tilespmem:$0x1E500] =	vst v63  }
0x81: {  	_ =	swait.ge [sflag:s25], $0x4000  }
0x82: {  	[sflag:s25] =	ssyncset.done $0x0  }
0x83: {  	[sflag:s25] =	ssyncadd.s32 $0xFFFFC000  }
0x84: {  	_ =	swait.ge [sflag:s26], $0x80  }
0x85: {  	[sflag:s26] =	ssyncset.done $0x0  }
0x86: {  	[sflag:s26] =	ssyncadd.s32 $0xFFFFFF80  }
0x87: {  	[spmem:s3] =	stream.indirect.scatter.add.f32 [tilespmem:s22], [sflag:$0x5], $0x80, s21, s19, $0xb8;
	[tilespmem:$0x1E500] =	vst v63  }
0x88: {  	_ =	swait.ge [sflag:s17], $0x4000  }
0x89: {  	[sflag:s17] =	ssyncset.done $0x0  }
0x8a: {  	[sflag:s17] =	ssyncadd.s32 $0xFFFFC000  }
0x8b: {  	[tilespmem:s21], [sflag:$0x4] =	stream.linear.gather [hbm4b:s12+s4], $0x80, $0x38;
	[tilespmem:$0x1E500] =	vst v63  }
0x8c: {  	_ = 	snop  }
0x8d: {  	[tilespmem:s22], [sflag:$0x2] =	stream.indirect.gather [hbm4b:s1+s19], $0x80, s29, s19, $0xb8;
	[tilespmem:$0x1E500] =	vst v63  }
0x8e: {  	_ =	swait.ge [sflag:s23], $0x4000  }
0x8f: {  	[sflag:s23] =	ssyncset.done $0x0  }
0x90: {  	[sflag:s23] =	ssyncadd.s32 $0xFFFFC000  }
0x91: {  	_ =	swait.ge [sflag:s25], $0x4000  }
0x92: {  	[sflag:s25] =	ssyncset.done $0x0  }
0x93: {  	[sflag:s25] =	ssyncadd.s32 $0xFFFFC000  }
0x94: {  	_ =	swait.ge [sflag:s24], $0x80  }
0x95: {  	[sflag:s24] =	ssyncset.done $0x0  }
0x96: {  	[sflag:s24] =	ssyncadd.s32 $0xFFFFFF80  }
0x97: {  	_ =	swait.ge [sflag:s26], $0x80  }
0x98: {  	s30 =	sadd.s32 $0x1, s30;
	[sflag:s26] =	ssyncset.done $0x0  }
0x99: {  	p0 =	sne.s32 s30, s11;
	[sflag:s26] =	ssyncadd.s32 $0xFFFFFF80  }
.Ltmp1:
0x9a: {  	[bflag:$0x0] =	sbarrier.arrive $0xFFFF;
	(pc) =	sbr.rel @p0 .LBB2_1-.Ltmp1, $4  }
0x9b: {  	[hbm:s10], [sflag:s6] =	dma.local [spmem:s16], $0x2780  }
0x9c: {  	_ =	swait.ge [sflag:s17], $0x2780  }
0x9d: {  	[sflag:s17] =	ssyncset.done $0x0  }
0x9e: {  	[sflag:s17] =	ssyncadd.s32 $0xFFFFD880  }
0x9f: {  	_ =	sfence.sel $0x180000  }
0xa0: {  	[bflag:$0x0] =	sbarrier.arrive $0xFFFF  }
0xa1: {  	_ =	strace $0x9000004A  }
0xa2: {  	s0 =	stileid.u32;
	[bflag:$0x2] =	sbarrier.arrive $0xFFFF  }
0xa3: {  	p0 =	sne.s32 s0, $0x0;
	s0 =	rddreg [dreg:$0x3]  }
0xa4: {  	s0 =	sadd.s32 @!p0 $0x100000, s0  }
0xa5: {  	[sflag:s0] =	ssyncadd.tile.s32 @!p0 $0x1;
	_ =	shalt  }
.Lfunc_end2:
_tile_overlayer_lowered:
.L_overlay_start_2:
0xa6: {  	(tag) =	ssettag $0x2  }
0xa7: {  	s0 =	rddreg [dreg:$0x0];
	s2 =	stileid.u32  }
0xa8: {  	s1 =	rddreg [dreg:$0x1];
	p0 =	sne.s32 s2, $0x0  }
0xa9: {  	s3 =	rddreg [dreg:$0x2];
	[bflag:$0x3] =	sbarrier.arrive $0xFFFF;
	s2 =	simm.s32 @!p0 $0x1C05  }
0xaa: {  	[timem:s3], [sflag:s2] =	dma.local @!p0 [hbm:s0], s1  }
0xab: {  	s0 =	simm.s32 @!p0 $0x5  }
0xac: {  	_ =	swait.ge @!p0 [sflag:s0], s1  }
0xad: {  	s1 =	ssub.s32 @!p0 $0x0, s1;
	[sflag:s0] =	ssyncset.done @!p0 $0x0  }
0xae: {  	[sflag:s0] =	ssyncadd.s32 @!p0 s1  }
0xaf: {  	[bflag:$0x3] =	sbarrier.arrive $0xFFFF  }
0xb0: {  	_ =	shalt  }

</sc_bundles>
